<compile_context>
chip_gen: v7x
topology: tpu7x:2x2x1
jax: 0.10.2.dev20260603
libtpu: 0.0.44.dev20260713+nightly
codegen_flags: <defaults>
</compile_context>

<pallas_src>
import functools

import jax
import jax.numpy as jnp
from jax.experimental import pallas as pl
from jax.experimental.pallas import tpu as pltpu
from jax.experimental.pallas import tpu_sc as plsc

N = 8192
IN_CH = 64
OUT_CH = 64
K = 16
EXTENT = 0.1
KS = 4
S = KS * KS * KS

RB = 256
NBLK = N // RB
CW = 8192

SC_NC = 2
SC_NS = 16
SC_NW = SC_NC * SC_NS
GCH = 128
TW = 80


def _atan_poly(t):
    a = jnp.abs(t)
    big = a > 0.4142135623730951
    x = jnp.where(big, (a - 1.0) / (a + 1.0), a)
    z = x * x
    p = (((8.05374449538e-2 * z - 1.38776856032e-1) * z + 1.99777106478e-1) * z
         - 3.33329491539e-1) * z * x + x
    p = jnp.where(big, 0.7853981633974483 + p, p)
    return jnp.sign(t) * p


def _knn_kernel(pos_ref, posT_ref, sq_ref, sqT_ref, idx_ref, d2_ref):
    pid = pl.program_id(0)
    pblk = pos_ref[...]
    sqb = sq_ref[...]
    rid = pid * RB + jax.lax.broadcasted_iota(jnp.int32, (RB, CW), 0)
    cid0 = jax.lax.broadcasted_iota(jnp.int32, (RB, CW), 1)

    def build(c, carry):
        off = pl.multiple_of(c * CW, CW)
        dot = jnp.dot(pblk, posT_ref[:, pl.ds(off, CW)],
                      preferred_element_type=jnp.float32)
        d2 = sqb + sqT_ref[0:1, pl.ds(off, CW)] - 2.0 * dot
        d2_ref[:, pl.ds(off, CW)] = jnp.where(rid == (cid0 + c * CW), jnp.inf, d2)
        return carry

    jax.lax.fori_loop(0, N // CW, build, 0)

    slot = jax.lax.broadcasted_iota(jnp.int32, (RB, K), 1)

    def outer(t, carry):
        lv, li, acc = carry

        def inner(c, ic):
            mv, mi = ic
            off = pl.multiple_of(c * CW, CW)
            d2c = d2_ref[:, pl.ds(off, CW)]
            colc = cid0 + c * CW
            pred = (d2c > lv) | ((d2c == lv) & (colc > li))
            cand = jnp.where(pred, d2c, jnp.inf)
            lmv = jnp.min(cand, axis=1, keepdims=True)
            lmi = jnp.min(jnp.where(cand == lmv, colc, N), axis=1, keepdims=True)
            better = (lmv < mv) | ((lmv == mv) & (lmi < mi))
            return jnp.where(better, lmv, mv), jnp.where(better, lmi, mi)

        mv0 = jnp.full((RB, 1), jnp.inf, jnp.float32)
        mi0 = jnp.full((RB, 1), N, jnp.int32)
        mv, mi = jax.lax.fori_loop(0, N // CW, inner, (mv0, mi0))
        acc = jnp.where(slot == t, mi, acc)
        return mv, mi, acc

    lv0 = jnp.full((RB, 1), -jnp.inf, jnp.float32)
    li0 = jnp.full((RB, 1), -1, jnp.int32)
    acc0 = jnp.zeros((RB, K), jnp.int32)
    _, _, acc = jax.lax.fori_loop(0, K, outer, (lv0, li0, acc0))
    idx_ref[...] = acc


def _knn(pos, posT, sq):
    return pl.pallas_call(
        _knn_kernel,
        grid=(NBLK,),
        in_specs=[
            pl.BlockSpec((RB, 3), lambda i: (i, 0)),
            pl.BlockSpec((3, N), lambda i: (0, 0)),
            pl.BlockSpec((RB, 1), lambda i: (i, 0)),
            pl.BlockSpec((1, N), lambda i: (0, 0)),
        ],
        out_specs=pl.BlockSpec((RB, K), lambda i: (i, 0)),
        out_shape=jax.ShapeDtypeStruct((N, K), jnp.int32),
        scratch_shapes=[pltpu.VMEM((RB, N), jnp.float32)],
    )(pos, posT, sq.reshape(N, 1), sq.reshape(1, N))


def _sc_gather(table, idx_flat):
    b_per_w = (N * K) // SC_NW
    nch = b_per_w // GCH
    mesh = plsc.VectorSubcoreMesh(core_axis_name="c", subcore_axis_name="s")

    @functools.partial(
        pl.kernel,
        mesh=mesh,
        compiler_params=pltpu.CompilerParams(use_tc_tiling_on_sc=False),
        out_type=jax.ShapeDtypeStruct((N * K, TW), jnp.float32),
        scratch_types=[
            pltpu.VMEM((GCH,), jnp.int32),
            pltpu.VMEM((GCH, TW), jnp.float32),
            pltpu.SemaphoreType.DMA,
        ],
    )
    def k(table_hbm, idx_hbm, out_hbm, idx_v, rows_v, sem):
        wid = jax.lax.axis_index("s") * SC_NC + jax.lax.axis_index("c")
        base = wid * b_per_w

        def body(c, carry):
            start = base + c * GCH
            pltpu.sync_copy(idx_hbm.at[pl.ds(start, GCH)], idx_v)
            pltpu.async_copy(table_hbm.at[idx_v], rows_v, sem).wait()
            pltpu.sync_copy(rows_v, out_hbm.at[pl.ds(start, GCH)])
            return carry

        jax.lax.fori_loop(0, nch, body, 0)

    return k(table, idx_flat)


def _conv_kernel(gath_ref, pos_ref, feats_ref, wfr_ref, bc_ref, wdt_ref,
                 bd_ref, conv_ref, dense_ref):
    g = gath_ref[...]
    nbf = g[:, :, 0:IN_CH]
    nbp = g[:, :, IN_CH:IN_CH + 3]
    p = pos_ref[...]
    rel = nbp - p[:, None, :]
    dist2 = jnp.sum(rel * rel, axis=2)
    radius = EXTENT / 2.0
    valid = (dist2 <= radius * radius).astype(jnp.float32)

    rel_n = rel * (2.0 / EXTENT)
    nrm = jnp.sqrt(jnp.sum(rel_n * rel_n, axis=2) + 1e-20)
    scale = jnp.minimum(1.0, 1.0 / nrm)
    x = rel_n[:, :, 0] * scale
    y = rel_n[:, :, 1] * scale
    z = rel_n[:, :, 2] * scale

    sq_norm = x * x + y * y + z * z
    norm = jnp.sqrt(sq_norm + 1e-20)
    sq_xy = x * x + y * y
    cond = (5.0 / 4.0) * z * z > sq_xy
    s1 = jnp.sqrt(3.0 * norm / (norm + jnp.abs(z) + 1e-20))
    x1, y1, z1 = x * s1, y * s1, jnp.sign(z) * norm
    s2 = norm / jnp.sqrt(sq_xy + 1e-20)
    x2, y2, z2 = x * s2, y * s2, 1.5 * z
    x = jnp.where(cond, x1, x2)
    y = jnp.where(cond, y1, y2)
    z = jnp.where(cond, z1, z2)
    nz = sq_norm > 1e-18
    x = jnp.where(nz, x, 0.0)
    y = jnp.where(nz, y, 0.0)
    z = jnp.where(nz, z, 0.0)
    sq_xy2 = x * x + y * y
    norm_xy = jnp.sqrt(sq_xy2 + 1e-20)
    cond2 = jnp.abs(y) <= jnp.abs(x)
    safe_x = jnp.where(jnp.abs(x) > 1e-12, x, 1.0)
    t1 = jnp.where(jnp.abs(x) > 1e-12, y / safe_x, 0.0)
    a1 = jnp.sign(x) * norm_xy
    b1 = jnp.sign(x) * norm_xy * (4.0 / jnp.pi) * _atan_poly(t1)
    safe_y = jnp.where(jnp.abs(y) > 1e-12, y, 1.0)
    t2 = jnp.where(jnp.abs(y) > 1e-12, x / safe_y, 0.0)
    b2 = jnp.sign(y) * norm_xy
    a2 = jnp.sign(y) * norm_xy * (4.0 / jnp.pi) * _atan_poly(t2)
    cx = jnp.where(cond2, a1, a2)
    cy = jnp.where(cond2, b1, b2)
    nz2 = sq_xy2 > 1e-18
    cx = jnp.where(nz2, cx, 0.0)
    cy = jnp.where(nz2, cy, 0.0)
    cz = z

    def axis_grid(cc):
        gg = (cc * 0.5 + 0.5) * (KS - 1)
        gg = jnp.clip(gg, 0.0, KS - 1.0)
        i0f = jnp.clip(jnp.floor(gg), 0.0, KS - 2.0)
        return i0f.astype(jnp.int32), gg - i0f

    i0x, fx = axis_grid(cx)
    i0y, fy = axis_grid(cy)
    i0z, fz = axis_grid(cz)

    sI = jax.lax.broadcasted_iota(jnp.int32, (RB3, K, S), 2)
    izI = sI // (KS * KS)
    iyI = (sI // KS) % KS
    ixI = sI % KS

    def axis_w(aI, i0, f):
        i0e = i0[:, :, None]
        fe = f[:, :, None]
        return (jnp.where(aI == i0e, 1.0 - fe, 0.0)
                + jnp.where(aI == i0e + 1, fe, 0.0))

    w3 = (axis_w(izI, i0z, fz) * axis_w(iyI, i0y, fy) * axis_w(ixI, i0x, fx)
          * valid[:, :, None])

    acc = jax.lax.dot_general(w3, nbf, (((1,), (1,)), ((0,), (0,))),
                              preferred_element_type=jnp.float32,
                              precision=jax.lax.Precision.HIGHEST)
    outS = jax.lax.dot_general(acc, wfr_ref[...], (((2,), (1,)), ((1,), (0,))),
                               preferred_element_type=jnp.float32)
    conv_ref[...] = jnp.sum(outS, axis=0) + bc_ref[...]

    dense_ref[...] = jnp.dot(feats_ref[...], wdt_ref[...],
                             preferred_element_type=jnp.float32) + bd_ref[...]


RB3 = 128
NBLK3 = N // RB3


def _conv(gath, pos, feats, wfr, bc, wdt, bd):
    return pl.pallas_call(
        _conv_kernel,
        grid=(NBLK3,),
        in_specs=[
            pl.BlockSpec((RB3, K, TW), lambda i: (i, 0, 0)),
            pl.BlockSpec((RB3, 3), lambda i: (i, 0)),
            pl.BlockSpec((RB3, IN_CH), lambda i: (i, 0)),
            pl.BlockSpec((S, IN_CH, OUT_CH), lambda i: (0, 0, 0)),
            pl.BlockSpec((1, OUT_CH), lambda i: (0, 0)),
            pl.BlockSpec((IN_CH, OUT_CH), lambda i: (0, 0)),
            pl.BlockSpec((1, OUT_CH), lambda i: (0, 0)),
        ],
        out_specs=[
            pl.BlockSpec((RB3, OUT_CH), lambda i: (i, 0)),
            pl.BlockSpec((RB3, OUT_CH), lambda i: (i, 0)),
        ],
        out_shape=[
            jax.ShapeDtypeStruct((N, OUT_CH), jnp.float32),
            jax.ShapeDtypeStruct((N, OUT_CH), jnp.float32),
        ],
    )(gath, pos, feats, wfr, bc, wdt, bd)


def kernel(feats, pos, W_conv, b_conv, W_dense, b_dense):
    posT = pos.T
    sq = jnp.sum(pos * pos, axis=1)
    idx = _knn(pos, posT, sq)
    table = jnp.concatenate(
        [feats, pos, jnp.zeros((N, TW - IN_CH - 3), jnp.float32)], axis=1)
    gath = _sc_gather(table, idx.reshape(N * K))
    wfr = W_conv.reshape(S, IN_CH, OUT_CH)
    ans_conv, ans_dense = _conv(
        gath.reshape(N, K, TW), pos, feats,
        wfr, b_conv.reshape(1, OUT_CH), W_dense.T, b_dense.reshape(1, OUT_CH))
    return ans_conv, ans_dense

# --- scband reference (transcript-rebuilt; emitter-appended) ---
"""Pipeline reference for scband-continuous-convolution-block-51187420234486 (READ-ONLY COPY).

The authoritative reference and input builder live on the scoring server;
editing this copy changes nothing except your own understanding.
"""

import jax, jax.numpy as jnp
import numpy as np

N = 8192
IN_CH = 64
OUT_CH = 64
K = 16
EXTENT = 0.1
KS = 4


def _ball_to_cube(x, y, z):
    # volume-preserving ball -> cylinder (Open3D MapSphereToCylinder)
    sq_norm = x * x + y * y + z * z
    norm = jnp.sqrt(sq_norm + 1e-20)
    sq_xy = x * x + y * y
    cond = (5.0 / 4.0) * z * z > sq_xy
    s1 = jnp.sqrt(3.0 * norm / (norm + jnp.abs(z) + 1e-20))
    x1, y1, z1 = x * s1, y * s1, jnp.sign(z) * norm
    s2 = norm / jnp.sqrt(sq_xy + 1e-20)
    x2, y2, z2 = x * s2, y * s2, 1.5 * z
    x = jnp.where(cond, x1, x2)
    y = jnp.where(cond, y1, y2)
    z = jnp.where(cond, z1, z2)
    nz = sq_norm > 1e-18
    x = jnp.where(nz, x, 0.0)
    y = jnp.where(nz, y, 0.0)
    z = jnp.where(nz, z, 0.0)
    # cylinder -> cube: area-preserving inverse concentric disc->square map
    sq_xy2 = x * x + y * y
    norm_xy = jnp.sqrt(sq_xy2 + 1e-20)
    cond2 = jnp.abs(y) <= jnp.abs(x)
    safe_x = jnp.where(jnp.abs(x) > 1e-12, x, 1.0)
    t1 = jnp.where(jnp.abs(x) > 1e-12, y / safe_x, 0.0)
    a1 = jnp.sign(x) * norm_xy
    b1 = jnp.sign(x) * norm_xy * (4.0 / np.pi) * jnp.arctan(t1)
    safe_y = jnp.where(jnp.abs(y) > 1e-12, y, 1.0)
    t2 = jnp.where(jnp.abs(y) > 1e-12, x / safe_y, 0.0)
    b2 = jnp.sign(y) * norm_xy
    a2 = jnp.sign(y) * norm_xy * (4.0 / np.pi) * jnp.arctan(t2)
    xo = jnp.where(cond2, a1, a2)
    yo = jnp.where(cond2, b1, b2)
    nz2 = sq_xy2 > 1e-18
    xo = jnp.where(nz2, xo, 0.0)
    yo = jnp.where(nz2, yo, 0.0)
    return xo, yo, z


def _trilinear(coords):
    # coords [..., 3] = (x, y, z) in [-1, 1]; align_corners=True; kernel layout [z, y, x]
    g = (coords * 0.5 + 0.5) * (KS - 1)
    g = jnp.clip(g, 0.0, KS - 1.0)
    i0f = jnp.clip(jnp.floor(g), 0.0, KS - 2.0)
    f = g - i0f
    i0 = i0f.astype(jnp.int32)
    i1 = i0 + 1
    corners = []
    coefs = []
    for cz in (0, 1):
        for cy in (0, 1):
            for cx in (0, 1):
                ix = i1[..., 0] if cx else i0[..., 0]
                iy = i1[..., 1] if cy else i0[..., 1]
                iz = i1[..., 2] if cz else i0[..., 2]
                wx = f[..., 0] if cx else 1.0 - f[..., 0]
                wy = f[..., 1] if cy else 1.0 - f[..., 1]
                wz = f[..., 2] if cz else 1.0 - f[..., 2]
                corners.append(iz * (KS * KS) + iy * KS + ix)
                coefs.append(wx * wy * wz)
    return jnp.stack(corners, axis=-1), jnp.stack(coefs, axis=-1)


def setup_inputs(seed: int = 0):
    key = jax.random.key(seed)
    k1, k2, k3, k4 = jax.random.split(key, 4)
    feats = jax.random.normal(k1, (N, IN_CH), dtype=jnp.float32)
    pos = jax.random.uniform(k2, (N, 3), dtype=jnp.float32)
    W_conv = jax.random.normal(k3, (KS, KS, KS, IN_CH, OUT_CH), dtype=jnp.float32) * 0.05
    b_conv = jnp.zeros((OUT_CH,), dtype=jnp.float32)
    W_dense = jax.random.normal(k4, (OUT_CH, IN_CH), dtype=jnp.float32) * 0.05
    b_dense = jnp.zeros((OUT_CH,), dtype=jnp.float32)
    return {"feats": feats, "pos": pos, "W_conv": W_conv, "b_conv": b_conv,
            "W_dense": W_dense, "b_dense": b_dense}


def reference(feats, pos, W_conv, b_conv, W_dense, b_dense):
    radius = EXTENT / 2.0
    n = feats.shape[0]
    # fixed-radius neighbor search (top-K within radius), ignore query point itself
    sq = jnp.sum(pos * pos, axis=1)
    d2 = sq[:, None] + sq[None, :] - 2.0 * (pos @ pos.T)
    d2 = d2.at[jnp.arange(n), jnp.arange(n)].set(jnp.inf)
    d2 = jax.lax.stop_gradient(d2)
    _, idx = jax.lax.top_k(-d2, K)
    nb_pos = pos[idx]                                  # [n, K, 3]
    rel = nb_pos - pos[:, None, :]
    dist2 = jnp.sum(rel * rel, axis=-1)
    valid = (jax.lax.stop_gradient(dist2) <= radius * radius).astype(jnp.float32)
    # normalize relative positions to unit ball (extent = filter diameter)
    rel_n = rel * (2.0 / EXTENT)
    nrm = jnp.sqrt(jnp.sum(rel_n * rel_n, axis=-1) + 1e-20)
    rel_n = rel_n * jnp.minimum(1.0, 1.0 / nrm)[..., None]
    cx, cy, cz = _ball_to_cube(rel_n[..., 0], rel_n[..., 1], rel_n[..., 2])
    coords = jnp.stack([cx, cy, cz], axis=-1)
    corner_idx, coefs = _trilinear(coords)             # [n, K, 8]
    coefs = coefs * valid[..., None]                   # window_function=None, normalize=False
    nb_feats = feats[idx]                              # [n, K, in]
    wf = coefs[..., None] * nb_feats[:, :, None, :]    # [n, K, 8, in]
    S = KS * KS * KS
    Facc = jnp.zeros((n, S, IN_CH), dtype=feats.dtype)
    Facc = Facc.at[jnp.arange(n)[:, None, None], corner_idx].add(wf)
    Wf = W_conv.reshape(S, IN_CH, OUT_CH)
    ans_conv = jnp.einsum('nsi,sio->no', Facc, Wf) + b_conv
    ans_dense = feats @ W_dense.T + b_dense
    return ans_conv, ans_dense

if __name__ == "__main__":
    import jax
    _d = setup_inputs()
    print(jax.jit(kernel)(*tuple(_d.values())))

</pallas_src>

<mosaic_0001>
#map = affine_map<(d0, d1) -> (0, 0)>
#map1 = affine_map<(d0, d1) -> (0)>
module attributes {stable_mosaic.version = 14 : i64} {
  func.func @k(%arg0: i32, %arg1: i32, %arg2: memref<8192x80xf32, #tpu.memory_space<hbm>>, %arg3: memref<131072xi32, #tpu.memory_space<hbm>>, %arg4: memref<131072x80xf32, #tpu.memory_space<hbm>>, %arg5: memref<128xi32, #tpu.memory_space<vmem>>, %arg6: memref<128x80xf32, #tpu.memory_space<vmem>>, %arg7: memref<!tpu.dma_semaphore, #tpu.memory_space<semaphore_mem>>) attributes {dimension_semantics = [#tpu.dimension_semantics<core_parallel>, #tpu.dimension_semantics<subcore_parallel>], iteration_bounds = array<i64: 2, 16>, scalar_prefetch = 0 : i64, scratch_operands = 3 : i64, tpu.core_type = #tpu.core_type<sc_vector_subcore>, window_params = [{transform_indices = #map}, {transform_indices = #map1}, {transform_indices = #map}]} {
    %mul3A = arith.constant 2 : i32
    %mul3A_0 = arith.muli %arg1, %mul3A : i32
    %add3A = arith.addi %mul3A_0, %arg0 : i32
    %mul3A_1 = arith.constant 4096 : i32
    %mul3A_2 = arith.muli %add3A, %mul3A_1 : i32
    %scan3A = arith.constant 0 : i32
    %scan3A_3 = arith.constant 0 : i32
    %scan3A_4 = arith.constant 32 : i32
    %scan3A_5 = arith.addi %scan3A_3, %scan3A_4 : i32
    %scan3A_6 = arith.constant 1 : i32
    scf.for %scan3A_8 = %scan3A_3 to %scan3A_5 step %scan3A_6  : i32 {
      %mul3A_9 = arith.constant 128 : i32
      %mul3A_10 = arith.muli %scan3A_8, %mul3A_9 : i32
      %add3A_11 = arith.addi %mul3A_2, %mul3A_10 : i32
      "tpu.region"() ({
        %run_scoped3A = tpu.sem_alloc : memref<!tpu.dma_semaphore, #tpu.memory_space<semaphore_mem>>
        %dma_start3A_16 = tpu.memref_slice %arg3[%add3A_11] : memref<131072xi32, #tpu.memory_space<hbm>> -> memref<128xi32, #tpu.memory_space<hbm>>
        %dma_start3A_17 = tpu.memref_slice %arg3[%add3A_11] : memref<131072xi32, #tpu.memory_space<hbm>> -> memref<128xi32, #tpu.memory_space<hbm>>
        tpu.enqueue_dma source(%dma_start3A_17 : memref<128xi32, #tpu.memory_space<hbm>>) target(%arg5 : memref<128xi32, #tpu.memory_space<vmem>>) target_semaphore(%run_scoped3A : memref<!tpu.dma_semaphore, #tpu.memory_space<semaphore_mem>>)
        %dma_wait3A_18 = tpu.memref_slice %arg3[%add3A_11] : memref<131072xi32, #tpu.memory_space<hbm>> -> memref<128xi32, #tpu.memory_space<hbm>>
        %dma_wait3A_19 = tpu.memref_slice %arg3[%add3A_11] : memref<131072xi32, #tpu.memory_space<hbm>> -> memref<128xi32, #tpu.memory_space<hbm>>
        tpu.wait_dma2 semaphore(%run_scoped3A : memref<!tpu.dma_semaphore, #tpu.memory_space<semaphore_mem>>) src(%dma_wait3A_19 : memref<128xi32, #tpu.memory_space<hbm>>) dst(%arg5 : memref<128xi32, #tpu.memory_space<vmem>>)
        tpu.yield
      }) : () -> ()
      %dma_start3A = arith.constant 0 : i32
      %dma_start3A_12 = arith.constant 0 : i32
      %dma_start3A_13 = tpu.memref_slice %arg2[%dma_start3A, %dma_start3A_12] : memref<8192x80xf32, #tpu.memory_space<hbm>> -> memref<8192x80xf32, #tpu.memory_space<hbm>>
      tpu.enqueue_indirect_dma source(%dma_start3A_13 : memref<8192x80xf32, #tpu.memory_space<hbm>>) target(%arg6 : memref<128x80xf32, #tpu.memory_space<vmem>>) offsets(%arg5 : memref<128xi32, #tpu.memory_space<vmem>>) semaphore(%arg7 : memref<!tpu.dma_semaphore, #tpu.memory_space<semaphore_mem>>)
      %dma_wait3A = arith.constant 0 : i32
      %dma_wait3A_14 = arith.constant 0 : i32
      %dma_wait3A_15 = tpu.memref_slice %arg2[%dma_wait3A, %dma_wait3A_14] : memref<8192x80xf32, #tpu.memory_space<hbm>> -> memref<8192x80xf32, #tpu.memory_space<hbm>>
      tpu.wait_indirect_dma semaphore(%arg7 : memref<!tpu.dma_semaphore, #tpu.memory_space<semaphore_mem>>) src(%dma_wait3A_15 : memref<8192x80xf32, #tpu.memory_space<hbm>>) dst(%arg6 : memref<128x80xf32, #tpu.memory_space<vmem>>)
      "tpu.region"() ({
        %run_scoped3A = tpu.sem_alloc : memref<!tpu.dma_semaphore, #tpu.memory_space<semaphore_mem>>
        %dma_start3A_16 = arith.constant 0 : i32
        %dma_start3A_17 = tpu.memref_slice %arg4[%add3A_11, %dma_start3A_16] : memref<131072x80xf32, #tpu.memory_space<hbm>> -> memref<128x80xf32, #tpu.memory_space<hbm>>
        %dma_start3A_18 = arith.constant 0 : i32
        %dma_start3A_19 = tpu.memref_slice %arg4[%add3A_11, %dma_start3A_18] : memref<131072x80xf32, #tpu.memory_space<hbm>> -> memref<128x80xf32, #tpu.memory_space<hbm>>
        tpu.enqueue_dma source(%arg6 : memref<128x80xf32, #tpu.memory_space<vmem>>) target(%dma_start3A_19 : memref<128x80xf32, #tpu.memory_space<hbm>>) target_semaphore(%run_scoped3A : memref<!tpu.dma_semaphore, #tpu.memory_space<semaphore_mem>>)
        %dma_wait3A_20 = arith.constant 0 : i32
        %dma_wait3A_21 = tpu.memref_slice %arg4[%add3A_11, %dma_wait3A_20] : memref<131072x80xf32, #tpu.memory_space<hbm>> -> memref<128x80xf32, #tpu.memory_space<hbm>>
        %dma_wait3A_22 = arith.constant 0 : i32
        %dma_wait3A_23 = tpu.memref_slice %arg4[%add3A_11, %dma_wait3A_22] : memref<131072x80xf32, #tpu.memory_space<hbm>> -> memref<128x80xf32, #tpu.memory_space<hbm>>
        tpu.wait_dma2 semaphore(%run_scoped3A : memref<!tpu.dma_semaphore, #tpu.memory_space<semaphore_mem>>) src(%arg6 : memref<128x80xf32, #tpu.memory_space<vmem>>) dst(%dma_wait3A_23 : memref<128x80xf32, #tpu.memory_space<hbm>>)
        tpu.yield
      }) : () -> ()
    }
    %scan3A_7 = arith.constant 32 : i32
    return
  }
}

module attributes {stable_mosaic.version = 14 : i64} {
  func.func @_knn_kernel(%arg0: i32, %arg1: memref<256x3xf32, #tpu.memory_space<vmem>>, %arg2: memref<3x8192xf32, #tpu.memory_space<vmem>>, %arg3: memref<256x1xf32, #tpu.memory_space<vmem>>, %arg4: memref<1x8192xf32, #tpu.memory_space<vmem>>, %arg5: memref<256x16xi32, #tpu.memory_space<vmem>>, %arg6: memref<256x8192xf32, #tpu.memory_space<vmem>>) attributes {dimension_semantics = [#tpu.dimension_semantics<arbitrary>], iteration_bounds = array<i64: 32>, scalar_prefetch = 0 : i64, scratch_operands = 1 : i64, tpu.core_type = #tpu.core_type<tc>, window_params = [{transform_indices = @transform_0, window_bounds = array<i64: 256, 3>}, {pipeline_mode = #tpu.pipeline_mode<synchronous>, transform_indices = @transform_1, window_bounds = array<i64: 3, 8192>}, {transform_indices = @transform_2, window_bounds = array<i64: 256, 1>}, {pipeline_mode = #tpu.pipeline_mode<synchronous>, transform_indices = @transform_3, window_bounds = array<i64: 1, 8192>}, {transform_indices = @transform_4, window_bounds = array<i64: 256, 16>}]} {
    %get3A = arith.constant 0 : index
    %get3A_0 = arith.constant 0 : index
    %get3A_1 = vector.load %arg1[%get3A, %get3A_0] : memref<256x3xf32, #tpu.memory_space<vmem>>, vector<256x3xf32>
    %get3A_2 = arith.constant 0 : index
    %get3A_3 = arith.constant 0 : index
    %get3A_4 = vector.load %arg3[%get3A_2, %get3A_3] : memref<256x1xf32, #tpu.memory_space<vmem>>, vector<256x1xf32>
    %mul3A = arith.constant 256 : i32
    %mul3A_5 = arith.muli %arg0, %mul3A : i32
    %iota3A = tpu.iota {dimensions = array<i32: 0>} : vector<256x8192xi32>
    %add3A = vector.broadcast %mul3A_5 : i32 to vector<256x8192xi32>
    %add3A_6 = arith.addi %add3A, %iota3A : vector<256x8192xi32>
    %iota3A_7 = tpu.iota {dimensions = array<i32: 1>} : vector<256x8192xi32>
    %scan3A = arith.constant 0 : i32
    %mul3A_8 = arith.constant 8192 : i32
    %mul3A_9 = arith.muli %scan3A, %mul3A_8 : i32
    %multiple_of3A = tpu.assume_multiple %mul3A_9, 8192 : i32
    %get3A_10 = arith.constant 0 : index
    %get3A_11 = arith.index_cast %multiple_of3A : i32 to index
    %get3A_12 = vector.load %arg2[%get3A_10, %get3A_11] : memref<3x8192xf32, #tpu.memory_space<vmem>>, vector<3x8192xf32>
    %dot_general3A = arith.constant dense<0.000000e+00> : vector<256x8192xf32>
    %dot_general3A_13 = tpu.matmul %get3A_1, %get3A_12, %dot_general3A {dimension_numbers = #tpu.dot_dimension_numbers<[1], [0], [0], [1], [0, 0, 1, 1], [], []>, transpose_lhs_hint = false} : vector<256x3xf32>, vector<3x8192xf32>, vector<256x8192xf32> -> vector<256x8192xf32>
    %get3A_14 = arith.constant 0 : index
    %get3A_15 = arith.index_cast %multiple_of3A : i32 to index
    %get3A_16 = vector.load %arg4[%get3A_14, %get3A_15] : memref<1x8192xf32, #tpu.memory_space<vmem>>, vector<1x8192xf32>
    %add3A_17 = vector.broadcast %get3A_4 : vector<256x1xf32> to vector<256x8192xf32>
    %add3A_18 = vector.broadcast %get3A_16 : vector<1x8192xf32> to vector<256x8192xf32>
    %add3A_19 = arith.addf %add3A_17, %add3A_18 : vector<256x8192xf32>
    %mul3A_20 = arith.constant 2.000000e+00 : f32
    %mul3A_21 = vector.broadcast %mul3A_20 : f32 to vector<256x8192xf32>
    %mul3A_22 = arith.mulf %mul3A_21, %dot_general3A_13 : vector<256x8192xf32>
    %sub3A = arith.subf %add3A_19, %mul3A_22 : vector<256x8192xf32>
    %mul3A_23 = arith.constant 8192 : i32
    %mul3A_24 = arith.muli %scan3A, %mul3A_23 : i32
    %add3A_25 = vector.broadcast %mul3A_24 : i32 to vector<256x8192xi32>
    %add3A_26 = arith.addi %iota3A_7, %add3A_25 : vector<256x8192xi32>
    %eq3A = arith.cmpi eq, %add3A_6, %add3A_26 : vector<256x8192xi32>
    %jit3A = arith.constant 0x7F800000 : f32
    %broadcast_in_dim3A = vector.broadcast %jit3A : f32 to vector<256x8192xf32>
    %select_n3A = arith.select %eq3A, %broadcast_in_dim3A, %sub3A : vector<256x8192xi1>, vector<256x8192xf32>
    %swap3A = arith.constant 0 : index
    %swap3A_27 = arith.index_cast %multiple_of3A : i32 to index
    %swap3A_28 = vector.load %arg6[%swap3A, %swap3A_27] : memref<256x8192xf32, #tpu.memory_space<vmem>>, vector<256x8192xf32>
    tpu.vector_store %arg6[%swap3A, %swap3A_27], %select_n3A {strides = array<i32>} : memref<256x8192xf32, #tpu.memory_space<vmem>>, vector<256x8192xf32>,
    %scan3A_29 = arith.constant 1 : i32
    %iota3A_30 = tpu.iota {dimensions = array<i32: 1>} : vector<256x16xi32>
    %broadcast_in_dim3A_31 = arith.constant 0xFF800000 : f32
    %broadcast_in_dim3A_32 = vector.broadcast %broadcast_in_dim3A_31 : f32 to vector<256x1xf32>
    %broadcast_in_dim3A_33 = arith.constant -1 : i32
    %broadcast_in_dim3A_34 = vector.broadcast %broadcast_in_dim3A_33 : i32 to vector<256x1xi32>
    %broadcast_in_dim3A_35 = arith.constant 0 : i32
    %broadcast_in_dim3A_36 = vector.broadcast %broadcast_in_dim3A_35 : i32 to vector<256x16xi32>
    %scan3A_37 = arith.constant 0 : i32
    %scan3A_38 = arith.constant 16 : i32
    %scan3A_39 = arith.addi %scan3A_37, %scan3A_38 : i32
    %scan3A_40 = arith.constant 1 : i32
    %scan3A_41:3 = scf.for %scan3A_46 = %scan3A_37 to %scan3A_39 step %scan3A_40 iter_args(%scan3A_47 = %broadcast_in_dim3A_32, %scan3A_48 = %broadcast_in_dim3A_34, %scan3A_49 = %broadcast_in_dim3A_36) -> (vector<256x1xf32>, vector<256x1xi32>, vector<256x16xi32>)  : i32 {
      %broadcast_in_dim3A_50 = arith.constant 0x7F800000 : f32
      %broadcast_in_dim3A_51 = vector.broadcast %broadcast_in_dim3A_50 : f32 to vector<256x1xf32>
      %broadcast_in_dim3A_52 = arith.constant 8192 : i32
      %broadcast_in_dim3A_53 = vector.broadcast %broadcast_in_dim3A_52 : i32 to vector<256x1xi32>
      %scan3A_54 = arith.constant 0 : i32
      %mul3A_55 = arith.constant 8192 : i32
      %mul3A_56 = arith.muli %scan3A_54, %mul3A_55 : i32
      %multiple_of3A_57 = tpu.assume_multiple %mul3A_56, 8192 : i32
      %get3A_58 = arith.constant 0 : index
      %get3A_59 = arith.index_cast %multiple_of3A_57 : i32 to index
      %get3A_60 = vector.load %arg6[%get3A_58, %get3A_59] : memref<256x8192xf32, #tpu.memory_space<vmem>>, vector<256x8192xf32>
      %mul3A_61 = arith.constant 8192 : i32
      %mul3A_62 = arith.muli %scan3A_54, %mul3A_61 : i32
      %add3A_63 = vector.broadcast %mul3A_62 : i32 to vector<256x8192xi32>
      %add3A_64 = arith.addi %iota3A_7, %add3A_63 : vector<256x8192xi32>
      %gt3A = vector.broadcast %scan3A_47 : vector<256x1xf32> to vector<256x8192xf32>
      %gt3A_65 = arith.cmpf ogt, %get3A_60, %gt3A : vector<256x8192xf32>
      %eq3A_66 = vector.broadcast %scan3A_47 : vector<256x1xf32> to vector<256x8192xf32>
      %eq3A_67 = arith.cmpf oeq, %get3A_60, %eq3A_66 : vector<256x8192xf32>
      %gt3A_68 = vector.broadcast %scan3A_48 : vector<256x1xi32> to vector<256x8192xi32>
      %gt3A_69 = arith.cmpi sgt, %add3A_64, %gt3A_68 : vector<256x8192xi32>
      %and3A = arith.andi %eq3A_67, %gt3A_69 : vector<256x8192xi1>
      %or3A = arith.ori %gt3A_65, %and3A : vector<256x8192xi1>
      %jit3A_70 = arith.constant 0x7F800000 : f32
      %broadcast_in_dim3A_71 = vector.broadcast %jit3A_70 : f32 to vector<256x8192xf32>
      %select_n3A_72 = arith.select %or3A, %get3A_60, %broadcast_in_dim3A_71 : vector<256x8192xi1>, vector<256x8192xf32>
      %reduce_min3A = arith.constant dense<0x7F800000> : vector<256xf32>
      %reduce_min3A_73 = vector.multi_reduction <minimumf>, %select_n3A_72, %reduce_min3A [1] : vector<256x8192xf32> to vector<256xf32>
      %broadcast_in_dim3A_74 = vector.shape_cast %reduce_min3A_73 : vector<256xf32> to vector<256x1xf32>
      %eq3A_75 = vector.broadcast %broadcast_in_dim3A_74 : vector<256x1xf32> to vector<256x8192xf32>
      %eq3A_76 = arith.cmpf oeq, %select_n3A_72, %eq3A_75 : vector<256x8192xf32>
      %jit3A_77 = arith.constant 8192 : i32
      %broadcast_in_dim3A_78 = vector.broadcast %jit3A_77 : i32 to vector<256x8192xi32>
      %select_n3A_79 = arith.select %eq3A_76, %add3A_64, %broadcast_in_dim3A_78 : vector<256x8192xi1>, vector<256x8192xi32>
      %reduce_min3A_80 = arith.constant dense<2147483647> : vector<256xi32>
      %reduce_min3A_81 = vector.multi_reduction <minsi>, %select_n3A_79, %reduce_min3A_80 [1] : vector<256x8192xi32> to vector<256xi32>
      %broadcast_in_dim3A_82 = vector.shape_cast %reduce_min3A_81 : vector<256xi32> to vector<256x1xi32>
      %lt3A = arith.cmpf olt, %broadcast_in_dim3A_74, %broadcast_in_dim3A_51 : vector<256x1xf32>
      %eq3A_83 = arith.cmpf oeq, %broadcast_in_dim3A_74, %broadcast_in_dim3A_51 : vector<256x1xf32>
      %lt3A_84 = arith.cmpi slt, %broadcast_in_dim3A_82, %broadcast_in_dim3A_53 : vector<256x1xi32>
      %and3A_85 = arith.andi %eq3A_83, %lt3A_84 : vector<256x1xi1>
      %or3A_86 = arith.ori %lt3A, %and3A_85 : vector<256x1xi1>
      %select_n3A_87 = arith.select %or3A_86, %broadcast_in_dim3A_74, %broadcast_in_dim3A_51 : vector<256x1xi1>, vector<256x1xf32>
      %select_n3A_88 = arith.select %or3A_86, %broadcast_in_dim3A_82, %broadcast_in_dim3A_53 : vector<256x1xi1>, vector<256x1xi32>
      %scan3A_89 = arith.constant 1 : i32
      %eq3A_90 = vector.broadcast %scan3A_46 : i32 to vector<256x16xi32>
      %eq3A_91 = arith.cmpi eq, %iota3A_30, %eq3A_90 : vector<256x16xi32>
      %broadcast_in_dim3A_92 = vector.shape_cast %select_n3A_88 : vector<256x1xi32> to vector<256x1xi32>
      %broadcast_in_dim3A_93 = vector.broadcast %broadcast_in_dim3A_92 : vector<256x1xi32> to vector<256x16xi32>
      %select_n3A_94 = arith.select %eq3A_91, %broadcast_in_dim3A_93, %scan3A_49 : vector<256x16xi1>, vector<256x16xi32>
      scf.yield %select_n3A_87, %select_n3A_88, %select_n3A_94 : vector<256x1xf32>, vector<256x1xi32>, vector<256x16xi32>
    }
    %scan3A_42 = arith.constant 16 : i32
    %swap3A_43 = arith.constant 0 : index
    %swap3A_44 = arith.constant 0 : index
    %swap3A_45 = vector.load %arg5[%swap3A_43, %swap3A_44] : memref<256x16xi32, #tpu.memory_space<vmem>>, vector<256x16xi32>
    tpu.vector_store %arg5[%swap3A_43, %swap3A_44], %scan3A_41#2 {strides = array<i32>} : memref<256x16xi32, #tpu.memory_space<vmem>>, vector<256x16xi32>,
    return
  }
  func.func @transform_0(%arg0: i32) -> (i32, i32) {
    %c0_i32 = arith.constant 0 : i32
    %c0_i32_0 = arith.constant 0 : i32
    return %arg0, %c0_i32 : i32, i32
  }
  func.func @transform_1(%arg0: i32) -> (i32, i32) {
    %c0_i32 = arith.constant 0 : i32
    %c0_i32_0 = arith.constant 0 : i32
    %c0_i32_1 = arith.constant 0 : i32
    return %c0_i32, %c0_i32_0 : i32, i32
  }
  func.func @transform_2(%arg0: i32) -> (i32, i32) {
    %c0_i32 = arith.constant 0 : i32
    %c0_i32_0 = arith.constant 0 : i32
    return %arg0, %c0_i32 : i32, i32
  }
  func.func @transform_3(%arg0: i32) -> (i32, i32) {
    %c0_i32 = arith.constant 0 : i32
    %c0_i32_0 = arith.constant 0 : i32
    %c0_i32_1 = arith.constant 0 : i32
    return %c0_i32, %c0_i32_0 : i32, i32
  }
  func.func @transform_4(%arg0: i32) -> (i32, i32) {
    %c0_i32 = arith.constant 0 : i32
    %c0_i32_0 = arith.constant 0 : i32
    return %arg0, %c0_i32 : i32, i32
  }
}

module attributes {stable_mosaic.version = 14 : i64} {
  func.func @_conv_kernel(%arg0: i32, %arg1: memref<128x16x80xf32, #tpu.memory_space<vmem>>, %arg2: memref<128x3xf32, #tpu.memory_space<vmem>>, %arg3: memref<128x64xf32, #tpu.memory_space<vmem>>, %arg4: memref<64x64x64xf32, #tpu.memory_space<vmem>>, %arg5: memref<1x64xf32, #tpu.memory_space<vmem>>, %arg6: memref<64x64xf32, #tpu.memory_space<vmem>>, %arg7: memref<1x64xf32, #tpu.memory_space<vmem>>, %arg8: memref<128x64xf32, #tpu.memory_space<vmem>>, %arg9: memref<128x64xf32, #tpu.memory_space<vmem>>) attributes {dimension_semantics = [#tpu.dimension_semantics<arbitrary>], iteration_bounds = array<i64: 64>, scalar_prefetch = 0 : i64, scratch_operands = 0 : i64, tpu.core_type = #tpu.core_type<tc>, window_params = [{transform_indices = @transform_0, window_bounds = array<i64: 128, 16, 80>}, {transform_indices = @transform_1, window_bounds = array<i64: 128, 3>}, {transform_indices = @transform_2, window_bounds = array<i64: 128, 64>}, {pipeline_mode = #tpu.pipeline_mode<synchronous>, transform_indices = @transform_3, window_bounds = array<i64: 64, 64, 64>}, {pipeline_mode = #tpu.pipeline_mode<synchronous>, transform_indices = @transform_4, window_bounds = array<i64: 1, 64>}, {pipeline_mode = #tpu.pipeline_mode<synchronous>, transform_indices = @transform_5, window_bounds = array<i64: 64, 64>}, {pipeline_mode = #tpu.pipeline_mode<synchronous>, transform_indices = @transform_6, window_bounds = array<i64: 1, 64>}, {transform_indices = @transform_7, window_bounds = array<i64: 128, 64>}, {transform_indices = @transform_8, window_bounds = array<i64: 128, 64>}]} {
    %get3A = arith.constant 0 : index
    %get3A_0 = arith.constant 0 : index
    %get3A_1 = arith.constant 0 : index
    %get3A_2 = vector.load %arg1[%get3A, %get3A_0, %get3A_1] : memref<128x16x80xf32, #tpu.memory_space<vmem>>, vector<128x16x80xf32>
    %slice3A = vector.extract_strided_slice %get3A_2 {offsets = [0, 0, 0], sizes = [128, 16, 64], strides = [1, 1, 1]} : vector<128x16x80xf32> to vector<128x16x64xf32>
    %slice3A_3 = vector.extract_strided_slice %get3A_2 {offsets = [0, 0, 64], sizes = [128, 16, 3], strides = [1, 1, 1]} : vector<128x16x80xf32> to vector<128x16x3xf32>
    %get3A_4 = arith.constant 0 : index
    %get3A_5 = arith.constant 0 : index
    %get3A_6 = vector.load %arg2[%get3A_4, %get3A_5] : memref<128x3xf32, #tpu.memory_space<vmem>>, vector<128x3xf32>
    %broadcast_in_dim3A = vector.shape_cast %get3A_6 : vector<128x3xf32> to vector<128x1x3xf32>
    %sub3A = vector.broadcast %broadcast_in_dim3A : vector<128x1x3xf32> to vector<128x16x3xf32>
    %sub3A_7 = arith.subf %slice3A_3, %sub3A : vector<128x16x3xf32>
    %mul3A = arith.mulf %sub3A_7, %sub3A_7 : vector<128x16x3xf32>
    %reduce_sum3A = arith.constant dense<0.000000e+00> : vector<128x16xf32>
    %reduce_sum3A_8 = vector.multi_reduction <add>, %mul3A, %reduce_sum3A [2] : vector<128x16x3xf32> to vector<128x16xf32>
    %le3A = arith.constant 2.500000e-03 : f32
    %le3A_9 = vector.broadcast %le3A : f32 to vector<128x16xf32>
    %le3A_10 = arith.cmpf ole, %reduce_sum3A_8, %le3A_9 : vector<128x16xf32>
    %convert_element_type3A = arith.extui %le3A_10 : vector<128x16xi1> to vector<128x16xi32>
    %convert_element_type3A_11 = arith.sitofp %convert_element_type3A : vector<128x16xi32> to vector<128x16xf32>
    %mul3A_12 = arith.constant 2.000000e+01 : f32
    %mul3A_13 = vector.broadcast %mul3A_12 : f32 to vector<128x16x3xf32>
    %mul3A_14 = arith.mulf %sub3A_7, %mul3A_13 : vector<128x16x3xf32>
    %mul3A_15 = arith.mulf %mul3A_14, %mul3A_14 : vector<128x16x3xf32>
    %reduce_sum3A_16 = arith.constant dense<0.000000e+00> : vector<128x16xf32>
    %reduce_sum3A_17 = vector.multi_reduction <add>, %mul3A_15, %reduce_sum3A_16 [2] : vector<128x16x3xf32> to vector<128x16xf32>
    %add3A = arith.constant 9.99999968E-21 : f32
    %add3A_18 = vector.broadcast %add3A : f32 to vector<128x16xf32>
    %add3A_19 = arith.addf %reduce_sum3A_17, %add3A_18 : vector<128x16xf32>
    %sqrt3A = math.sqrt %add3A_19 : vector<128x16xf32>
    %div3A = arith.constant 1.000000e+00 : f32
    %div3A_20 = vector.broadcast %div3A : f32 to vector<128x16xf32>
    %div3A_21 = arith.divf %div3A_20, %sqrt3A : vector<128x16xf32>
    %min3A = arith.constant 1.000000e+00 : f32
    %min3A_22 = vector.broadcast %min3A : f32 to vector<128x16xf32>
    %min3A_23 = arith.minimumf %min3A_22, %div3A_21 : vector<128x16xf32>
    %slice3A_24 = vector.extract_strided_slice %mul3A_14 {offsets = [0, 0, 0], sizes = [128, 16, 1], strides = [1, 1, 1]} : vector<128x16x3xf32> to vector<128x16x1xf32>
    %squeeze3A = vector.shape_cast %slice3A_24 : vector<128x16x1xf32> to vector<128x16xf32>
    %mul3A_25 = arith.mulf %squeeze3A, %min3A_23 : vector<128x16xf32>
    %slice3A_26 = vector.extract_strided_slice %mul3A_14 {offsets = [0, 0, 1], sizes = [128, 16, 1], strides = [1, 1, 1]} : vector<128x16x3xf32> to vector<128x16x1xf32>
    %squeeze3A_27 = vector.shape_cast %slice3A_26 : vector<128x16x1xf32> to vector<128x16xf32>
    %mul3A_28 = arith.mulf %squeeze3A_27, %min3A_23 : vector<128x16xf32>
    %slice3A_29 = vector.extract_strided_slice %mul3A_14 {offsets = [0, 0, 2], sizes = [128, 16, 1], strides = [1, 1, 1]} : vector<128x16x3xf32> to vector<128x16x1xf32>
    %squeeze3A_30 = vector.shape_cast %slice3A_29 : vector<128x16x1xf32> to vector<128x16xf32>
    %mul3A_31 = arith.mulf %squeeze3A_30, %min3A_23 : vector<128x16xf32>
    %mul3A_32 = arith.mulf %mul3A_25, %mul3A_25 : vector<128x16xf32>
    %mul3A_33 = arith.mulf %mul3A_28, %mul3A_28 : vector<128x16xf32>
    %add3A_34 = arith.addf %mul3A_32, %mul3A_33 : vector<128x16xf32>
    %mul3A_35 = arith.mulf %mul3A_31, %mul3A_31 : vector<128x16xf32>
    %add3A_36 = arith.addf %add3A_34, %mul3A_35 : vector<128x16xf32>
    %add3A_37 = arith.constant 9.99999968E-21 : f32
    %add3A_38 = vector.broadcast %add3A_37 : f32 to vector<128x16xf32>
    %add3A_39 = arith.addf %add3A_36, %add3A_38 : vector<128x16xf32>
    %sqrt3A_40 = math.sqrt %add3A_39 : vector<128x16xf32>
    %mul3A_41 = arith.mulf %mul3A_25, %mul3A_25 : vector<128x16xf32>
    %mul3A_42 = arith.mulf %mul3A_28, %mul3A_28 : vector<128x16xf32>
    %add3A_43 = arith.addf %mul3A_41, %mul3A_42 : vector<128x16xf32>
    %mul3A_44 = arith.constant 1.250000e+00 : f32
    %mul3A_45 = vector.broadcast %mul3A_44 : f32 to vector<128x16xf32>
    %mul3A_46 = arith.mulf %mul3A_45, %mul3A_31 : vector<128x16xf32>
    %mul3A_47 = arith.mulf %mul3A_46, %mul3A_31 : vector<128x16xf32>
    %gt3A = arith.cmpf ogt, %mul3A_47, %add3A_43 : vector<128x16xf32>
    %mul3A_48 = arith.constant 3.000000e+00 : f32
    %mul3A_49 = vector.broadcast %mul3A_48 : f32 to vector<128x16xf32>
    %mul3A_50 = arith.mulf %mul3A_49, %sqrt3A_40 : vector<128x16xf32>
    %abs3A = math.absf %mul3A_31 : vector<128x16xf32>
    %add3A_51 = arith.addf %sqrt3A_40, %abs3A : vector<128x16xf32>
    %add3A_52 = arith.constant 9.99999968E-21 : f32
    %add3A_53 = vector.broadcast %add3A_52 : f32 to vector<128x16xf32>
    %add3A_54 = arith.addf %add3A_51, %add3A_53 : vector<128x16xf32>
    %div3A_55 = arith.divf %mul3A_50, %add3A_54 : vector<128x16xf32>
    %sqrt3A_56 = math.sqrt %div3A_55 : vector<128x16xf32>
    %mul3A_57 = arith.mulf %mul3A_25, %sqrt3A_56 : vector<128x16xf32>
    %mul3A_58 = arith.mulf %mul3A_28, %sqrt3A_56 : vector<128x16xf32>
    %sign3A = tpu.bitcast %mul3A_31 : vector<128x16xf32> -> vector<128x16xi32>
    %sign3A_59 = arith.constant -2147483648 : i32
    %sign3A_60 = vector.broadcast %sign3A_59 : i32 to vector<128x16xi32>
    %sign3A_61 = arith.andi %sign3A, %sign3A_60 : vector<128x16xi32>
    %sign3A_62 = arith.constant 1065353216 : i32
    %sign3A_63 = vector.broadcast %sign3A_62 : i32 to vector<128x16xi32>
    %sign3A_64 = arith.ori %sign3A_63, %sign3A_61 : vector<128x16xi32>
    %sign3A_65 = tpu.bitcast %sign3A_64 : vector<128x16xi32> -> vector<128x16xf32>
    %sign3A_66 = math.absf %mul3A_31 : vector<128x16xf32>
    %sign3A_67 = arith.constant 0.000000e+00 : f32
    %sign3A_68 = vector.broadcast %sign3A_67 : f32 to vector<128x16xf32>
    %sign3A_69 = arith.cmpf ogt, %sign3A_66, %sign3A_68 : vector<128x16xf32>
    %sign3A_70 = arith.select %sign3A_69, %sign3A_65, %mul3A_31 : vector<128x16xi1>, vector<128x16xf32>
    %mul3A_71 = arith.mulf %sign3A_70, %sqrt3A_40 : vector<128x16xf32>
    %add3A_72 = arith.constant 9.99999968E-21 : f32
    %add3A_73 = vector.broadcast %add3A_72 : f32 to vector<128x16xf32>
    %add3A_74 = arith.addf %add3A_43, %add3A_73 : vector<128x16xf32>
    %sqrt3A_75 = math.sqrt %add3A_74 : vector<128x16xf32>
    %div3A_76 = arith.divf %sqrt3A_40, %sqrt3A_75 : vector<128x16xf32>
    %mul3A_77 = arith.mulf %mul3A_25, %div3A_76 : vector<128x16xf32>
    %mul3A_78 = arith.mulf %mul3A_28, %div3A_76 : vector<128x16xf32>
    %mul3A_79 = arith.constant 1.500000e+00 : f32
    %mul3A_80 = vector.broadcast %mul3A_79 : f32 to vector<128x16xf32>
    %mul3A_81 = arith.mulf %mul3A_80, %mul3A_31 : vector<128x16xf32>
    %select_n3A = arith.select %gt3A, %mul3A_57, %mul3A_77 : vector<128x16xi1>, vector<128x16xf32>
    %select_n3A_82 = arith.select %gt3A, %mul3A_58, %mul3A_78 : vector<128x16xi1>, vector<128x16xf32>
    %select_n3A_83 = arith.select %gt3A, %mul3A_71, %mul3A_81 : vector<128x16xi1>, vector<128x16xf32>
    %gt3A_84 = arith.constant 1.000000e-18 : f32
    %gt3A_85 = vector.broadcast %gt3A_84 : f32 to vector<128x16xf32>
    %gt3A_86 = arith.cmpf ogt, %add3A_36, %gt3A_85 : vector<128x16xf32>
    %jit3A = arith.constant 0.000000e+00 : f32
    %broadcast_in_dim3A_87 = vector.broadcast %jit3A : f32 to vector<128x16xf32>
    %select_n3A_88 = arith.select %gt3A_86, %select_n3A, %broadcast_in_dim3A_87 : vector<128x16xi1>, vector<128x16xf32>
    %jit3A_89 = arith.constant 0.000000e+00 : f32
    %broadcast_in_dim3A_90 = vector.broadcast %jit3A_89 : f32 to vector<128x16xf32>
    %select_n3A_91 = arith.select %gt3A_86, %select_n3A_82, %broadcast_in_dim3A_90 : vector<128x16xi1>, vector<128x16xf32>
    %jit3A_92 = arith.constant 0.000000e+00 : f32
    %broadcast_in_dim3A_93 = vector.broadcast %jit3A_92 : f32 to vector<128x16xf32>
    %select_n3A_94 = arith.select %gt3A_86, %select_n3A_83, %broadcast_in_dim3A_93 : vector<128x16xi1>, vector<128x16xf32>
    %mul3A_95 = arith.mulf %select_n3A_88, %select_n3A_88 : vector<128x16xf32>
    %mul3A_96 = arith.mulf %select_n3A_91, %select_n3A_91 : vector<128x16xf32>
    %add3A_97 = arith.addf %mul3A_95, %mul3A_96 : vector<128x16xf32>
    %add3A_98 = arith.constant 9.99999968E-21 : f32
    %add3A_99 = vector.broadcast %add3A_98 : f32 to vector<128x16xf32>
    %add3A_100 = arith.addf %add3A_97, %add3A_99 : vector<128x16xf32>
    %sqrt3A_101 = math.sqrt %add3A_100 : vector<128x16xf32>
    %abs3A_102 = math.absf %select_n3A_91 : vector<128x16xf32>
    %abs3A_103 = math.absf %select_n3A_88 : vector<128x16xf32>
    %le3A_104 = arith.cmpf ole, %abs3A_102, %abs3A_103 : vector<128x16xf32>
    %abs3A_105 = math.absf %select_n3A_88 : vector<128x16xf32>
    %gt3A_106 = arith.constant 9.99999996E-13 : f32
    %gt3A_107 = vector.broadcast %gt3A_106 : f32 to vector<128x16xf32>
    %gt3A_108 = arith.cmpf ogt, %abs3A_105, %gt3A_107 : vector<128x16xf32>
    %jit3A_109 = arith.constant 1.000000e+00 : f32
    %broadcast_in_dim3A_110 = vector.broadcast %jit3A_109 : f32 to vector<128x16xf32>
    %select_n3A_111 = arith.select %gt3A_108, %select_n3A_88, %broadcast_in_dim3A_110 : vector<128x16xi1>, vector<128x16xf32>
    %abs3A_112 = math.absf %select_n3A_88 : vector<128x16xf32>
    %gt3A_113 = arith.constant 9.99999996E-13 : f32
    %gt3A_114 = vector.broadcast %gt3A_113 : f32 to vector<128x16xf32>
    %gt3A_115 = arith.cmpf ogt, %abs3A_112, %gt3A_114 : vector<128x16xf32>
    %div3A_116 = arith.divf %select_n3A_91, %select_n3A_111 : vector<128x16xf32>
    %jit3A_117 = arith.constant 0.000000e+00 : f32
    %broadcast_in_dim3A_118 = vector.broadcast %jit3A_117 : f32 to vector<128x16xf32>
    %select_n3A_119 = arith.select %gt3A_115, %div3A_116, %broadcast_in_dim3A_118 : vector<128x16xi1>, vector<128x16xf32>
    %sign3A_120 = tpu.bitcast %select_n3A_88 : vector<128x16xf32> -> vector<128x16xi32>
    %sign3A_121 = arith.constant -2147483648 : i32
    %sign3A_122 = vector.broadcast %sign3A_121 : i32 to vector<128x16xi32>
    %sign3A_123 = arith.andi %sign3A_120, %sign3A_122 : vector<128x16xi32>
    %sign3A_124 = arith.constant 1065353216 : i32
    %sign3A_125 = vector.broadcast %sign3A_124 : i32 to vector<128x16xi32>
    %sign3A_126 = arith.ori %sign3A_125, %sign3A_123 : vector<128x16xi32>
    %sign3A_127 = tpu.bitcast %sign3A_126 : vector<128x16xi32> -> vector<128x16xf32>
    %sign3A_128 = math.absf %select_n3A_88 : vector<128x16xf32>
    %sign3A_129 = arith.constant 0.000000e+00 : f32
    %sign3A_130 = vector.broadcast %sign3A_129 : f32 to vector<128x16xf32>
    %sign3A_131 = arith.cmpf ogt, %sign3A_128, %sign3A_130 : vector<128x16xf32>
    %sign3A_132 = arith.select %sign3A_131, %sign3A_127, %select_n3A_88 : vector<128x16xi1>, vector<128x16xf32>
    %mul3A_133 = arith.mulf %sign3A_132, %sqrt3A_101 : vector<128x16xf32>
    %sign3A_134 = tpu.bitcast %select_n3A_88 : vector<128x16xf32> -> vector<128x16xi32>
    %sign3A_135 = arith.constant -2147483648 : i32
    %sign3A_136 = vector.broadcast %sign3A_135 : i32 to vector<128x16xi32>
    %sign3A_137 = arith.andi %sign3A_134, %sign3A_136 : vector<128x16xi32>
    %sign3A_138 = arith.constant 1065353216 : i32
    %sign3A_139 = vector.broadcast %sign3A_138 : i32 to vector<128x16xi32>
    %sign3A_140 = arith.ori %sign3A_139, %sign3A_137 : vector<128x16xi32>
    %sign3A_141 = tpu.bitcast %sign3A_140 : vector<128x16xi32> -> vector<128x16xf32>
    %sign3A_142 = math.absf %select_n3A_88 : vector<128x16xf32>
    %sign3A_143 = arith.constant 0.000000e+00 : f32
    %sign3A_144 = vector.broadcast %sign3A_143 : f32 to vector<128x16xf32>
    %sign3A_145 = arith.cmpf ogt, %sign3A_142, %sign3A_144 : vector<128x16xf32>
    %sign3A_146 = arith.select %sign3A_145, %sign3A_141, %select_n3A_88 : vector<128x16xi1>, vector<128x16xf32>
    %mul3A_147 = arith.mulf %sign3A_146, %sqrt3A_101 : vector<128x16xf32>
    %mul3A_148 = arith.constant 1.27323949 : f32
    %mul3A_149 = vector.broadcast %mul3A_148 : f32 to vector<128x16xf32>
    %mul3A_150 = arith.mulf %mul3A_147, %mul3A_149 : vector<128x16xf32>
    %abs3A_151 = math.absf %select_n3A_119 : vector<128x16xf32>
    %gt3A_152 = arith.constant 0.414213568 : f32
    %gt3A_153 = vector.broadcast %gt3A_152 : f32 to vector<128x16xf32>
    %gt3A_154 = arith.cmpf ogt, %abs3A_151, %gt3A_153 : vector<128x16xf32>
    %sub3A_155 = arith.constant 1.000000e+00 : f32
    %sub3A_156 = vector.broadcast %sub3A_155 : f32 to vector<128x16xf32>
    %sub3A_157 = arith.subf %abs3A_151, %sub3A_156 : vector<128x16xf32>
    %add3A_158 = arith.constant 1.000000e+00 : f32
    %add3A_159 = vector.broadcast %add3A_158 : f32 to vector<128x16xf32>
    %add3A_160 = arith.addf %abs3A_151, %add3A_159 : vector<128x16xf32>
    %div3A_161 = arith.divf %sub3A_157, %add3A_160 : vector<128x16xf32>
    %select_n3A_162 = arith.select %gt3A_154, %div3A_161, %abs3A_151 : vector<128x16xi1>, vector<128x16xf32>
    %mul3A_163 = arith.mulf %select_n3A_162, %select_n3A_162 : vector<128x16xf32>
    %mul3A_164 = arith.constant 0.0805374458 : f32
    %mul3A_165 = vector.broadcast %mul3A_164 : f32 to vector<128x16xf32>
    %mul3A_166 = arith.mulf %mul3A_165, %mul3A_163 : vector<128x16xf32>
    %sub3A_167 = arith.constant 0.138776854 : f32
    %sub3A_168 = vector.broadcast %sub3A_167 : f32 to vector<128x16xf32>
    %sub3A_169 = arith.subf %mul3A_166, %sub3A_168 : vector<128x16xf32>
    %mul3A_170 = arith.mulf %sub3A_169, %mul3A_163 : vector<128x16xf32>
    %add3A_171 = arith.constant 0.199777111 : f32
    %add3A_172 = vector.broadcast %add3A_171 : f32 to vector<128x16xf32>
    %add3A_173 = arith.addf %mul3A_170, %add3A_172 : vector<128x16xf32>
    %mul3A_174 = arith.mulf %add3A_173, %mul3A_163 : vector<128x16xf32>
    %sub3A_175 = arith.constant 0.333329499 : f32
    %sub3A_176 = vector.broadcast %sub3A_175 : f32 to vector<128x16xf32>
    %sub3A_177 = arith.subf %mul3A_174, %sub3A_176 : vector<128x16xf32>
    %mul3A_178 = arith.mulf %sub3A_177, %mul3A_163 : vector<128x16xf32>
    %mul3A_179 = arith.mulf %mul3A_178, %select_n3A_162 : vector<128x16xf32>
    %add3A_180 = arith.addf %mul3A_179, %select_n3A_162 : vector<128x16xf32>
    %add3A_181 = arith.constant 0.785398185 : f32
    %add3A_182 = vector.broadcast %add3A_181 : f32 to vector<128x16xf32>
    %add3A_183 = arith.addf %add3A_182, %add3A_180 : vector<128x16xf32>
    %select_n3A_184 = arith.select %gt3A_154, %add3A_183, %add3A_180 : vector<128x16xi1>, vector<128x16xf32>
    %sign3A_185 = tpu.bitcast %select_n3A_119 : vector<128x16xf32> -> vector<128x16xi32>
    %sign3A_186 = arith.constant -2147483648 : i32
    %sign3A_187 = vector.broadcast %sign3A_186 : i32 to vector<128x16xi32>
    %sign3A_188 = arith.andi %sign3A_185, %sign3A_187 : vector<128x16xi32>
    %sign3A_189 = arith.constant 1065353216 : i32
    %sign3A_190 = vector.broadcast %sign3A_189 : i32 to vector<128x16xi32>
    %sign3A_191 = arith.ori %sign3A_190, %sign3A_188 : vector<128x16xi32>
    %sign3A_192 = tpu.bitcast %sign3A_191 : vector<128x16xi32> -> vector<128x16xf32>
    %sign3A_193 = math.absf %select_n3A_119 : vector<128x16xf32>
    %sign3A_194 = arith.constant 0.000000e+00 : f32
    %sign3A_195 = vector.broadcast %sign3A_194 : f32 to vector<128x16xf32>
    %sign3A_196 = arith.cmpf ogt, %sign3A_193, %sign3A_195 : vector<128x16xf32>
    %sign3A_197 = arith.select %sign3A_196, %sign3A_192, %select_n3A_119 : vector<128x16xi1>, vector<128x16xf32>
    %mul3A_198 = arith.mulf %sign3A_197, %select_n3A_184 : vector<128x16xf32>
    %mul3A_199 = arith.mulf %mul3A_150, %mul3A_198 : vector<128x16xf32>
    %abs3A_200 = math.absf %select_n3A_91 : vector<128x16xf32>
    %gt3A_201 = arith.constant 9.99999996E-13 : f32
    %gt3A_202 = vector.broadcast %gt3A_201 : f32 to vector<128x16xf32>
    %gt3A_203 = arith.cmpf ogt, %abs3A_200, %gt3A_202 : vector<128x16xf32>
    %jit3A_204 = arith.constant 1.000000e+00 : f32
    %broadcast_in_dim3A_205 = vector.broadcast %jit3A_204 : f32 to vector<128x16xf32>
    %select_n3A_206 = arith.select %gt3A_203, %select_n3A_91, %broadcast_in_dim3A_205 : vector<128x16xi1>, vector<128x16xf32>
    %abs3A_207 = math.absf %select_n3A_91 : vector<128x16xf32>
    %gt3A_208 = arith.constant 9.99999996E-13 : f32
    %gt3A_209 = vector.broadcast %gt3A_208 : f32 to vector<128x16xf32>
    %gt3A_210 = arith.cmpf ogt, %abs3A_207, %gt3A_209 : vector<128x16xf32>
    %div3A_211 = arith.divf %select_n3A_88, %select_n3A_206 : vector<128x16xf32>
    %jit3A_212 = arith.constant 0.000000e+00 : f32
    %broadcast_in_dim3A_213 = vector.broadcast %jit3A_212 : f32 to vector<128x16xf32>
    %select_n3A_214 = arith.select %gt3A_210, %div3A_211, %broadcast_in_dim3A_213 : vector<128x16xi1>, vector<128x16xf32>
    %sign3A_215 = tpu.bitcast %select_n3A_91 : vector<128x16xf32> -> vector<128x16xi32>
    %sign3A_216 = arith.constant -2147483648 : i32
    %sign3A_217 = vector.broadcast %sign3A_216 : i32 to vector<128x16xi32>
    %sign3A_218 = arith.andi %sign3A_215, %sign3A_217 : vector<128x16xi32>
    %sign3A_219 = arith.constant 1065353216 : i32
    %sign3A_220 = vector.broadcast %sign3A_219 : i32 to vector<128x16xi32>
    %sign3A_221 = arith.ori %sign3A_220, %sign3A_218 : vector<128x16xi32>
    %sign3A_222 = tpu.bitcast %sign3A_221 : vector<128x16xi32> -> vector<128x16xf32>
    %sign3A_223 = math.absf %select_n3A_91 : vector<128x16xf32>
    %sign3A_224 = arith.constant 0.000000e+00 : f32
    %sign3A_225 = vector.broadcast %sign3A_224 : f32 to vector<128x16xf32>
    %sign3A_226 = arith.cmpf ogt, %sign3A_223, %sign3A_225 : vector<128x16xf32>
    %sign3A_227 = arith.select %sign3A_226, %sign3A_222, %select_n3A_91 : vector<128x16xi1>, vector<128x16xf32>
    %mul3A_228 = arith.mulf %sign3A_227, %sqrt3A_101 : vector<128x16xf32>
    %sign3A_229 = tpu.bitcast %select_n3A_91 : vector<128x16xf32> -> vector<128x16xi32>
    %sign3A_230 = arith.constant -2147483648 : i32
    %sign3A_231 = vector.broadcast %sign3A_230 : i32 to vector<128x16xi32>
    %sign3A_232 = arith.andi %sign3A_229, %sign3A_231 : vector<128x16xi32>
    %sign3A_233 = arith.constant 1065353216 : i32
    %sign3A_234 = vector.broadcast %sign3A_233 : i32 to vector<128x16xi32>
    %sign3A_235 = arith.ori %sign3A_234, %sign3A_232 : vector<128x16xi32>
    %sign3A_236 = tpu.bitcast %sign3A_235 : vector<128x16xi32> -> vector<128x16xf32>
    %sign3A_237 = math.absf %select_n3A_91 : vector<128x16xf32>
    %sign3A_238 = arith.constant 0.000000e+00 : f32
    %sign3A_239 = vector.broadcast %sign3A_238 : f32 to vector<128x16xf32>
    %sign3A_240 = arith.cmpf ogt, %sign3A_237, %sign3A_239 : vector<128x16xf32>
    %sign3A_241 = arith.select %sign3A_240, %sign3A_236, %select_n3A_91 : vector<128x16xi1>, vector<128x16xf32>
    %mul3A_242 = arith.mulf %sign3A_241, %sqrt3A_101 : vector<128x16xf32>
    %mul3A_243 = arith.constant 1.27323949 : f32
    %mul3A_244 = vector.broadcast %mul3A_243 : f32 to vector<128x16xf32>
    %mul3A_245 = arith.mulf %mul3A_242, %mul3A_244 : vector<128x16xf32>
    %abs3A_246 = math.absf %select_n3A_214 : vector<128x16xf32>
    %gt3A_247 = arith.constant 0.414213568 : f32
    %gt3A_248 = vector.broadcast %gt3A_247 : f32 to vector<128x16xf32>
    %gt3A_249 = arith.cmpf ogt, %abs3A_246, %gt3A_248 : vector<128x16xf32>
    %sub3A_250 = arith.constant 1.000000e+00 : f32
    %sub3A_251 = vector.broadcast %sub3A_250 : f32 to vector<128x16xf32>
    %sub3A_252 = arith.subf %abs3A_246, %sub3A_251 : vector<128x16xf32>
    %add3A_253 = arith.constant 1.000000e+00 : f32
    %add3A_254 = vector.broadcast %add3A_253 : f32 to vector<128x16xf32>
    %add3A_255 = arith.addf %abs3A_246, %add3A_254 : vector<128x16xf32>
    %div3A_256 = arith.divf %sub3A_252, %add3A_255 : vector<128x16xf32>
    %select_n3A_257 = arith.select %gt3A_249, %div3A_256, %abs3A_246 : vector<128x16xi1>, vector<128x16xf32>
    %mul3A_258 = arith.mulf %select_n3A_257, %select_n3A_257 : vector<128x16xf32>
    %mul3A_259 = arith.constant 0.0805374458 : f32
    %mul3A_260 = vector.broadcast %mul3A_259 : f32 to vector<128x16xf32>
    %mul3A_261 = arith.mulf %mul3A_260, %mul3A_258 : vector<128x16xf32>
    %sub3A_262 = arith.constant 0.138776854 : f32
    %sub3A_263 = vector.broadcast %sub3A_262 : f32 to vector<128x16xf32>
    %sub3A_264 = arith.subf %mul3A_261, %sub3A_263 : vector<128x16xf32>
    %mul3A_265 = arith.mulf %sub3A_264, %mul3A_258 : vector<128x16xf32>
    %add3A_266 = arith.constant 0.199777111 : f32
    %add3A_267 = vector.broadcast %add3A_266 : f32 to vector<128x16xf32>
    %add3A_268 = arith.addf %mul3A_265, %add3A_267 : vector<128x16xf32>
    %mul3A_269 = arith.mulf %add3A_268, %mul3A_258 : vector<128x16xf32>
    %sub3A_270 = arith.constant 0.333329499 : f32
    %sub3A_271 = vector.broadcast %sub3A_270 : f32 to vector<128x16xf32>
    %sub3A_272 = arith.subf %mul3A_269, %sub3A_271 : vector<128x16xf32>
    %mul3A_273 = arith.mulf %sub3A_272, %mul3A_258 : vector<128x16xf32>
    %mul3A_274 = arith.mulf %mul3A_273, %select_n3A_257 : vector<128x16xf32>
    %add3A_275 = arith.addf %mul3A_274, %select_n3A_257 : vector<128x16xf32>
    %add3A_276 = arith.constant 0.785398185 : f32
    %add3A_277 = vector.broadcast %add3A_276 : f32 to vector<128x16xf32>
    %add3A_278 = arith.addf %add3A_277, %add3A_275 : vector<128x16xf32>
    %select_n3A_279 = arith.select %gt3A_249, %add3A_278, %add3A_275 : vector<128x16xi1>, vector<128x16xf32>
    %sign3A_280 = tpu.bitcast %select_n3A_214 : vector<128x16xf32> -> vector<128x16xi32>
    %sign3A_281 = arith.constant -2147483648 : i32
    %sign3A_282 = vector.broadcast %sign3A_281 : i32 to vector<128x16xi32>
    %sign3A_283 = arith.andi %sign3A_280, %sign3A_282 : vector<128x16xi32>
    %sign3A_284 = arith.constant 1065353216 : i32
    %sign3A_285 = vector.broadcast %sign3A_284 : i32 to vector<128x16xi32>
    %sign3A_286 = arith.ori %sign3A_285, %sign3A_283 : vector<128x16xi32>
    %sign3A_287 = tpu.bitcast %sign3A_286 : vector<128x16xi32> -> vector<128x16xf32>
    %sign3A_288 = math.absf %select_n3A_214 : vector<128x16xf32>
    %sign3A_289 = arith.constant 0.000000e+00 : f32
    %sign3A_290 = vector.broadcast %sign3A_289 : f32 to vector<128x16xf32>
    %sign3A_291 = arith.cmpf ogt, %sign3A_288, %sign3A_290 : vector<128x16xf32>
    %sign3A_292 = arith.select %sign3A_291, %sign3A_287, %select_n3A_214 : vector<128x16xi1>, vector<128x16xf32>
    %mul3A_293 = arith.mulf %sign3A_292, %select_n3A_279 : vector<128x16xf32>
    %mul3A_294 = arith.mulf %mul3A_245, %mul3A_293 : vector<128x16xf32>
    %select_n3A_295 = arith.select %le3A_104, %mul3A_133, %mul3A_294 : vector<128x16xi1>, vector<128x16xf32>
    %select_n3A_296 = arith.select %le3A_104, %mul3A_199, %mul3A_228 : vector<128x16xi1>, vector<128x16xf32>
    %gt3A_297 = arith.constant 1.000000e-18 : f32
    %gt3A_298 = vector.broadcast %gt3A_297 : f32 to vector<128x16xf32>
    %gt3A_299 = arith.cmpf ogt, %add3A_97, %gt3A_298 : vector<128x16xf32>
    %jit3A_300 = arith.constant 0.000000e+00 : f32
    %broadcast_in_dim3A_301 = vector.broadcast %jit3A_300 : f32 to vector<128x16xf32>
    %select_n3A_302 = arith.select %gt3A_299, %select_n3A_295, %broadcast_in_dim3A_301 : vector<128x16xi1>, vector<128x16xf32>
    %jit3A_303 = arith.constant 0.000000e+00 : f32
    %broadcast_in_dim3A_304 = vector.broadcast %jit3A_303 : f32 to vector<128x16xf32>
    %select_n3A_305 = arith.select %gt3A_299, %select_n3A_296, %broadcast_in_dim3A_304 : vector<128x16xi1>, vector<128x16xf32>
    %mul3A_306 = arith.constant 5.000000e-01 : f32
    %mul3A_307 = vector.broadcast %mul3A_306 : f32 to vector<128x16xf32>
    %mul3A_308 = arith.mulf %select_n3A_302, %mul3A_307 : vector<128x16xf32>
    %add3A_309 = arith.constant 5.000000e-01 : f32
    %add3A_310 = vector.broadcast %add3A_309 : f32 to vector<128x16xf32>
    %add3A_311 = arith.addf %mul3A_308, %add3A_310 : vector<128x16xf32>
    %mul3A_312 = arith.constant 3.000000e+00 : f32
    %mul3A_313 = vector.broadcast %mul3A_312 : f32 to vector<128x16xf32>
    %mul3A_314 = arith.mulf %add3A_311, %mul3A_313 : vector<128x16xf32>
    %jit3A_315 = arith.constant 0.000000e+00 : f32
    %jit3A_316 = arith.constant 3.000000e+00 : f32
    %max3A = vector.broadcast %jit3A_315 : f32 to vector<128x16xf32>
    %max3A_317 = arith.maximumf %max3A, %mul3A_314 : vector<128x16xf32>
    %min3A_318 = vector.broadcast %jit3A_316 : f32 to vector<128x16xf32>
    %min3A_319 = arith.minimumf %min3A_318, %max3A_317 : vector<128x16xf32>
    %floor3A = math.floor %min3A_319 : vector<128x16xf32>
    %jit3A_320 = arith.constant 0.000000e+00 : f32
    %jit3A_321 = arith.constant 2.000000e+00 : f32
    %max3A_322 = vector.broadcast %jit3A_320 : f32 to vector<128x16xf32>
    %max3A_323 = arith.maximumf %max3A_322, %floor3A : vector<128x16xf32>
    %min3A_324 = vector.broadcast %jit3A_321 : f32 to vector<128x16xf32>
    %min3A_325 = arith.minimumf %min3A_324, %max3A_323 : vector<128x16xf32>
    %convert_element_type3A_326 = arith.fptosi %min3A_325 : vector<128x16xf32> to vector<128x16xi32>
    %sub3A_327 = arith.subf %min3A_319, %min3A_325 : vector<128x16xf32>
    %mul3A_328 = arith.constant 5.000000e-01 : f32
    %mul3A_329 = vector.broadcast %mul3A_328 : f32 to vector<128x16xf32>
    %mul3A_330 = arith.mulf %select_n3A_305, %mul3A_329 : vector<128x16xf32>
    %add3A_331 = arith.constant 5.000000e-01 : f32
    %add3A_332 = vector.broadcast %add3A_331 : f32 to vector<128x16xf32>
    %add3A_333 = arith.addf %mul3A_330, %add3A_332 : vector<128x16xf32>
    %mul3A_334 = arith.constant 3.000000e+00 : f32
    %mul3A_335 = vector.broadcast %mul3A_334 : f32 to vector<128x16xf32>
    %mul3A_336 = arith.mulf %add3A_333, %mul3A_335 : vector<128x16xf32>
    %jit3A_337 = arith.constant 0.000000e+00 : f32
    %jit3A_338 = arith.constant 3.000000e+00 : f32
    %max3A_339 = vector.broadcast %jit3A_337 : f32 to vector<128x16xf32>
    %max3A_340 = arith.maximumf %max3A_339, %mul3A_336 : vector<128x16xf32>
    %min3A_341 = vector.broadcast %jit3A_338 : f32 to vector<128x16xf32>
    %min3A_342 = arith.minimumf %min3A_341, %max3A_340 : vector<128x16xf32>
    %floor3A_343 = math.floor %min3A_342 : vector<128x16xf32>
    %jit3A_344 = arith.constant 0.000000e+00 : f32
    %jit3A_345 = arith.constant 2.000000e+00 : f32
    %max3A_346 = vector.broadcast %jit3A_344 : f32 to vector<128x16xf32>
    %max3A_347 = arith.maximumf %max3A_346, %floor3A_343 : vector<128x16xf32>
    %min3A_348 = vector.broadcast %jit3A_345 : f32 to vector<128x16xf32>
    %min3A_349 = arith.minimumf %min3A_348, %max3A_347 : vector<128x16xf32>
    %convert_element_type3A_350 = arith.fptosi %min3A_349 : vector<128x16xf32> to vector<128x16xi32>
    %sub3A_351 = arith.subf %min3A_342, %min3A_349 : vector<128x16xf32>
    %mul3A_352 = arith.constant 5.000000e-01 : f32
    %mul3A_353 = vector.broadcast %mul3A_352 : f32 to vector<128x16xf32>
    %mul3A_354 = arith.mulf %select_n3A_94, %mul3A_353 : vector<128x16xf32>
    %add3A_355 = arith.constant 5.000000e-01 : f32
    %add3A_356 = vector.broadcast %add3A_355 : f32 to vector<128x16xf32>
    %add3A_357 = arith.addf %mul3A_354, %add3A_356 : vector<128x16xf32>
    %mul3A_358 = arith.constant 3.000000e+00 : f32
    %mul3A_359 = vector.broadcast %mul3A_358 : f32 to vector<128x16xf32>
    %mul3A_360 = arith.mulf %add3A_357, %mul3A_359 : vector<128x16xf32>
    %jit3A_361 = arith.constant 0.000000e+00 : f32
    %jit3A_362 = arith.constant 3.000000e+00 : f32
    %max3A_363 = vector.broadcast %jit3A_361 : f32 to vector<128x16xf32>
    %max3A_364 = arith.maximumf %max3A_363, %mul3A_360 : vector<128x16xf32>
    %min3A_365 = vector.broadcast %jit3A_362 : f32 to vector<128x16xf32>
    %min3A_366 = arith.minimumf %min3A_365, %max3A_364 : vector<128x16xf32>
    %floor3A_367 = math.floor %min3A_366 : vector<128x16xf32>
    %jit3A_368 = arith.constant 0.000000e+00 : f32
    %jit3A_369 = arith.constant 2.000000e+00 : f32
    %max3A_370 = vector.broadcast %jit3A_368 : f32 to vector<128x16xf32>
    %max3A_371 = arith.maximumf %max3A_370, %floor3A_367 : vector<128x16xf32>
    %min3A_372 = vector.broadcast %jit3A_369 : f32 to vector<128x16xf32>
    %min3A_373 = arith.minimumf %min3A_372, %max3A_371 : vector<128x16xf32>
    %convert_element_type3A_374 = arith.fptosi %min3A_373 : vector<128x16xf32> to vector<128x16xi32>
    %sub3A_375 = arith.subf %min3A_366, %min3A_373 : vector<128x16xf32>
    %iota3A = tpu.iota {dimensions = array<i32: 2>} : vector<128x16x64xi32>
    %jit3A_376 = arith.constant 16 : i32
    %div3A_377 = vector.broadcast %jit3A_376 : i32 to vector<128x16x64xi32>
    %div3A_378 = arith.divsi %iota3A, %div3A_377 : vector<128x16x64xi32>
    %sign3A_379 = arith.constant 0 : i32
    %sign3A_380 = vector.broadcast %sign3A_379 : i32 to vector<128x16x64xi32>
    %sign3A_381 = arith.cmpi sgt, %iota3A, %sign3A_380 : vector<128x16x64xi32>
    %sign3A_382 = arith.extui %sign3A_381 : vector<128x16x64xi1> to vector<128x16x64xi32>
    %sign3A_383 = arith.constant 0 : i32
    %sign3A_384 = vector.broadcast %sign3A_383 : i32 to vector<128x16x64xi32>
    %sign3A_385 = arith.cmpi slt, %iota3A, %sign3A_384 : vector<128x16x64xi32>
    %sign3A_386 = arith.extui %sign3A_385 : vector<128x16x64xi1> to vector<128x16x64xi32>
    %sign3A_387 = arith.subi %sign3A_382, %sign3A_386 : vector<128x16x64xi32>
    %sign3A_388 = arith.constant 0 : i32
    %sign3A_389 = arith.cmpi sgt, %jit3A_376, %sign3A_388 : i32
    %sign3A_390 = arith.extui %sign3A_389 : i1 to i32
    %sign3A_391 = arith.constant 0 : i32
    %sign3A_392 = arith.cmpi slt, %jit3A_376, %sign3A_391 : i32
    %sign3A_393 = arith.extui %sign3A_392 : i1 to i32
    %sign3A_394 = arith.subi %sign3A_390, %sign3A_393 : i32
    %ne3A = vector.broadcast %sign3A_394 : i32 to vector<128x16x64xi32>
    %ne3A_395 = arith.cmpi ne, %sign3A_387, %ne3A : vector<128x16x64xi32>
    %rem3A = vector.broadcast %jit3A_376 : i32 to vector<128x16x64xi32>
    %rem3A_396 = arith.remsi %iota3A, %rem3A : vector<128x16x64xi32>
    %ne3A_397 = arith.constant 0 : i32
    %ne3A_398 = vector.broadcast %ne3A_397 : i32 to vector<128x16x64xi32>
    %ne3A_399 = arith.cmpi ne, %rem3A_396, %ne3A_398 : vector<128x16x64xi32>
    %and3A = arith.andi %ne3A_395, %ne3A_399 : vector<128x16x64xi1>
    %sub3A_400 = arith.constant 1 : i32
    %sub3A_401 = vector.broadcast %sub3A_400 : i32 to vector<128x16x64xi32>
    %sub3A_402 = arith.subi %div3A_378, %sub3A_401 : vector<128x16x64xi32>
    %select_n3A_403 = arith.select %and3A, %sub3A_402, %div3A_378 : vector<128x16x64xi1>, vector<128x16x64xi32>
    %jit3A_404 = arith.constant 4 : i32
    %div3A_405 = vector.broadcast %jit3A_404 : i32 to vector<128x16x64xi32>
    %div3A_406 = arith.divsi %iota3A, %div3A_405 : vector<128x16x64xi32>
    %sign3A_407 = arith.constant 0 : i32
    %sign3A_408 = vector.broadcast %sign3A_407 : i32 to vector<128x16x64xi32>
    %sign3A_409 = arith.cmpi sgt, %iota3A, %sign3A_408 : vector<128x16x64xi32>
    %sign3A_410 = arith.extui %sign3A_409 : vector<128x16x64xi1> to vector<128x16x64xi32>
    %sign3A_411 = arith.constant 0 : i32
    %sign3A_412 = vector.broadcast %sign3A_411 : i32 to vector<128x16x64xi32>
    %sign3A_413 = arith.cmpi slt, %iota3A, %sign3A_412 : vector<128x16x64xi32>
    %sign3A_414 = arith.extui %sign3A_413 : vector<128x16x64xi1> to vector<128x16x64xi32>
    %sign3A_415 = arith.subi %sign3A_410, %sign3A_414 : vector<128x16x64xi32>
    %sign3A_416 = arith.constant 0 : i32
    %sign3A_417 = arith.cmpi sgt, %jit3A_404, %sign3A_416 : i32
    %sign3A_418 = arith.extui %sign3A_417 : i1 to i32
    %sign3A_419 = arith.constant 0 : i32
    %sign3A_420 = arith.cmpi slt, %jit3A_404, %sign3A_419 : i32
    %sign3A_421 = arith.extui %sign3A_420 : i1 to i32
    %sign3A_422 = arith.subi %sign3A_418, %sign3A_421 : i32
    %ne3A_423 = vector.broadcast %sign3A_422 : i32 to vector<128x16x64xi32>
    %ne3A_424 = arith.cmpi ne, %sign3A_415, %ne3A_423 : vector<128x16x64xi32>
    %rem3A_425 = vector.broadcast %jit3A_404 : i32 to vector<128x16x64xi32>
    %rem3A_426 = arith.remsi %iota3A, %rem3A_425 : vector<128x16x64xi32>
    %ne3A_427 = arith.constant 0 : i32
    %ne3A_428 = vector.broadcast %ne3A_427 : i32 to vector<128x16x64xi32>
    %ne3A_429 = arith.cmpi ne, %rem3A_426, %ne3A_428 : vector<128x16x64xi32>
    %and3A_430 = arith.andi %ne3A_424, %ne3A_429 : vector<128x16x64xi1>
    %sub3A_431 = arith.constant 1 : i32
    %sub3A_432 = vector.broadcast %sub3A_431 : i32 to vector<128x16x64xi32>
    %sub3A_433 = arith.subi %div3A_406, %sub3A_432 : vector<128x16x64xi32>
    %select_n3A_434 = arith.select %and3A_430, %sub3A_433, %div3A_406 : vector<128x16x64xi1>, vector<128x16x64xi32>
    %jit3A_435 = arith.constant 4 : i32
    %eq3A = arith.constant 0 : i32
    %eq3A_436 = arith.cmpi eq, %jit3A_435, %eq3A : i32
    %jit3A_437 = arith.constant 1 : i32
    %select_n3A_438 = arith.select %eq3A_436, %jit3A_437, %jit3A_435 : i32
    %rem3A_439 = vector.broadcast %select_n3A_438 : i32 to vector<128x16x64xi32>
    %rem3A_440 = arith.remsi %select_n3A_434, %rem3A_439 : vector<128x16x64xi32>
    %ne3A_441 = arith.constant 0 : i32
    %ne3A_442 = vector.broadcast %ne3A_441 : i32 to vector<128x16x64xi32>
    %ne3A_443 = arith.cmpi ne, %rem3A_440, %ne3A_442 : vector<128x16x64xi32>
    %lt3A = arith.constant 0 : i32
    %lt3A_444 = vector.broadcast %lt3A : i32 to vector<128x16x64xi32>
    %lt3A_445 = arith.cmpi slt, %rem3A_440, %lt3A_444 : vector<128x16x64xi32>
    %lt3A_446 = arith.constant 0 : i32
    %lt3A_447 = arith.cmpi slt, %select_n3A_438, %lt3A_446 : i32
    %ne3A_448 = vector.broadcast %lt3A_447 : i1 to vector<128x16x64xi1>
    %ne3A_449 = vector.broadcast %ne3A_448 : vector<128x16x64xi1> to vector<128x16x64xi1>
    %ne3A_450 = arith.xori %lt3A_445, %ne3A_449 : vector<128x16x64xi1>
    %and3A_451 = arith.andi %ne3A_450, %ne3A_443 : vector<128x16x64xi1>
    %add3A_452 = vector.broadcast %select_n3A_438 : i32 to vector<128x16x64xi32>
    %add3A_453 = arith.addi %rem3A_440, %add3A_452 : vector<128x16x64xi32>
    %select_n3A_454 = arith.select %and3A_451, %add3A_453, %rem3A_440 : vector<128x16x64xi1>, vector<128x16x64xi32>
    %jit3A_455 = arith.constant 4 : i32
    %eq3A_456 = arith.constant 0 : i32
    %eq3A_457 = arith.cmpi eq, %jit3A_455, %eq3A_456 : i32
    %jit3A_458 = arith.constant 1 : i32
    %select_n3A_459 = arith.select %eq3A_457, %jit3A_458, %jit3A_455 : i32
    %rem3A_460 = vector.broadcast %select_n3A_459 : i32 to vector<128x16x64xi32>
    %rem3A_461 = arith.remsi %iota3A, %rem3A_460 : vector<128x16x64xi32>
    %ne3A_462 = arith.constant 0 : i32
    %ne3A_463 = vector.broadcast %ne3A_462 : i32 to vector<128x16x64xi32>
    %ne3A_464 = arith.cmpi ne, %rem3A_461, %ne3A_463 : vector<128x16x64xi32>
    %lt3A_465 = arith.constant 0 : i32
    %lt3A_466 = vector.broadcast %lt3A_465 : i32 to vector<128x16x64xi32>
    %lt3A_467 = arith.cmpi slt, %rem3A_461, %lt3A_466 : vector<128x16x64xi32>
    %lt3A_468 = arith.constant 0 : i32
    %lt3A_469 = arith.cmpi slt, %select_n3A_459, %lt3A_468 : i32
    %ne3A_470 = vector.broadcast %lt3A_469 : i1 to vector<128x16x64xi1>
    %ne3A_471 = vector.broadcast %ne3A_470 : vector<128x16x64xi1> to vector<128x16x64xi1>
    %ne3A_472 = arith.xori %lt3A_467, %ne3A_471 : vector<128x16x64xi1>
    %and3A_473 = arith.andi %ne3A_472, %ne3A_464 : vector<128x16x64xi1>
    %add3A_474 = vector.broadcast %select_n3A_459 : i32 to vector<128x16x64xi32>
    %add3A_475 = arith.addi %rem3A_461, %add3A_474 : vector<128x16x64xi32>
    %select_n3A_476 = arith.select %and3A_473, %add3A_475, %rem3A_461 : vector<128x16x64xi1>, vector<128x16x64xi32>
    %broadcast_in_dim3A_477 = vector.shape_cast %convert_element_type3A_374 : vector<128x16xi32> to vector<128x16x1xi32>
    %broadcast_in_dim3A_478 = vector.shape_cast %sub3A_375 : vector<128x16xf32> to vector<128x16x1xf32>
    %eq3A_479 = vector.broadcast %broadcast_in_dim3A_477 : vector<128x16x1xi32> to vector<128x16x64xi32>
    %eq3A_480 = arith.cmpi eq, %select_n3A_403, %eq3A_479 : vector<128x16x64xi32>
    %sub3A_481 = arith.constant 1.000000e+00 : f32
    %sub3A_482 = vector.broadcast %sub3A_481 : f32 to vector<128x16x1xf32>
    %sub3A_483 = arith.subf %sub3A_482, %broadcast_in_dim3A_478 : vector<128x16x1xf32>
    %jit3A_484 = arith.constant 0.000000e+00 : f32
    %broadcast_in_dim3A_485 = vector.shape_cast %sub3A_483 : vector<128x16x1xf32> to vector<128x16x1xf32>
    %broadcast_in_dim3A_486 = vector.broadcast %broadcast_in_dim3A_485 : vector<128x16x1xf32> to vector<128x16x64xf32>
    %broadcast_in_dim3A_487 = vector.broadcast %jit3A_484 : f32 to vector<128x16x64xf32>
    %select_n3A_488 = arith.select %eq3A_480, %broadcast_in_dim3A_486, %broadcast_in_dim3A_487 : vector<128x16x64xi1>, vector<128x16x64xf32>
    %add3A_489 = arith.constant 1 : i32
    %add3A_490 = vector.broadcast %add3A_489 : i32 to vector<128x16x1xi32>
    %add3A_491 = arith.addi %broadcast_in_dim3A_477, %add3A_490 : vector<128x16x1xi32>
    %eq3A_492 = vector.broadcast %add3A_491 : vector<128x16x1xi32> to vector<128x16x64xi32>
    %eq3A_493 = arith.cmpi eq, %select_n3A_403, %eq3A_492 : vector<128x16x64xi32>
    %jit3A_494 = arith.constant 0.000000e+00 : f32
    %broadcast_in_dim3A_495 = vector.shape_cast %broadcast_in_dim3A_478 : vector<128x16x1xf32> to vector<128x16x1xf32>
    %broadcast_in_dim3A_496 = vector.broadcast %broadcast_in_dim3A_495 : vector<128x16x1xf32> to vector<128x16x64xf32>
    %broadcast_in_dim3A_497 = vector.broadcast %jit3A_494 : f32 to vector<128x16x64xf32>
    %select_n3A_498 = arith.select %eq3A_493, %broadcast_in_dim3A_496, %broadcast_in_dim3A_497 : vector<128x16x64xi1>, vector<128x16x64xf32>
    %add3A_499 = arith.addf %select_n3A_488, %select_n3A_498 : vector<128x16x64xf32>
    %broadcast_in_dim3A_500 = vector.shape_cast %convert_element_type3A_350 : vector<128x16xi32> to vector<128x16x1xi32>
    %broadcast_in_dim3A_501 = vector.shape_cast %sub3A_351 : vector<128x16xf32> to vector<128x16x1xf32>
    %eq3A_502 = vector.broadcast %broadcast_in_dim3A_500 : vector<128x16x1xi32> to vector<128x16x64xi32>
    %eq3A_503 = arith.cmpi eq, %select_n3A_454, %eq3A_502 : vector<128x16x64xi32>
    %sub3A_504 = arith.constant 1.000000e+00 : f32
    %sub3A_505 = vector.broadcast %sub3A_504 : f32 to vector<128x16x1xf32>
    %sub3A_506 = arith.subf %sub3A_505, %broadcast_in_dim3A_501 : vector<128x16x1xf32>
    %jit3A_507 = arith.constant 0.000000e+00 : f32
    %broadcast_in_dim3A_508 = vector.shape_cast %sub3A_506 : vector<128x16x1xf32> to vector<128x16x1xf32>
    %broadcast_in_dim3A_509 = vector.broadcast %broadcast_in_dim3A_508 : vector<128x16x1xf32> to vector<128x16x64xf32>
    %broadcast_in_dim3A_510 = vector.broadcast %jit3A_507 : f32 to vector<128x16x64xf32>
    %select_n3A_511 = arith.select %eq3A_503, %broadcast_in_dim3A_509, %broadcast_in_dim3A_510 : vector<128x16x64xi1>, vector<128x16x64xf32>
    %add3A_512 = arith.constant 1 : i32
    %add3A_513 = vector.broadcast %add3A_512 : i32 to vector<128x16x1xi32>
    %add3A_514 = arith.addi %broadcast_in_dim3A_500, %add3A_513 : vector<128x16x1xi32>
    %eq3A_515 = vector.broadcast %add3A_514 : vector<128x16x1xi32> to vector<128x16x64xi32>
    %eq3A_516 = arith.cmpi eq, %select_n3A_454, %eq3A_515 : vector<128x16x64xi32>
    %jit3A_517 = arith.constant 0.000000e+00 : f32
    %broadcast_in_dim3A_518 = vector.shape_cast %broadcast_in_dim3A_501 : vector<128x16x1xf32> to vector<128x16x1xf32>
    %broadcast_in_dim3A_519 = vector.broadcast %broadcast_in_dim3A_518 : vector<128x16x1xf32> to vector<128x16x64xf32>
    %broadcast_in_dim3A_520 = vector.broadcast %jit3A_517 : f32 to vector<128x16x64xf32>
    %select_n3A_521 = arith.select %eq3A_516, %broadcast_in_dim3A_519, %broadcast_in_dim3A_520 : vector<128x16x64xi1>, vector<128x16x64xf32>
    %add3A_522 = arith.addf %select_n3A_511, %select_n3A_521 : vector<128x16x64xf32>
    %mul3A_523 = arith.mulf %add3A_499, %add3A_522 : vector<128x16x64xf32>
    %broadcast_in_dim3A_524 = vector.shape_cast %convert_element_type3A_326 : vector<128x16xi32> to vector<128x16x1xi32>
    %broadcast_in_dim3A_525 = vector.shape_cast %sub3A_327 : vector<128x16xf32> to vector<128x16x1xf32>
    %eq3A_526 = vector.broadcast %broadcast_in_dim3A_524 : vector<128x16x1xi32> to vector<128x16x64xi32>
    %eq3A_527 = arith.cmpi eq, %select_n3A_476, %eq3A_526 : vector<128x16x64xi32>
    %sub3A_528 = arith.constant 1.000000e+00 : f32
    %sub3A_529 = vector.broadcast %sub3A_528 : f32 to vector<128x16x1xf32>
    %sub3A_530 = arith.subf %sub3A_529, %broadcast_in_dim3A_525 : vector<128x16x1xf32>
    %jit3A_531 = arith.constant 0.000000e+00 : f32
    %broadcast_in_dim3A_532 = vector.shape_cast %sub3A_530 : vector<128x16x1xf32> to vector<128x16x1xf32>
    %broadcast_in_dim3A_533 = vector.broadcast %broadcast_in_dim3A_532 : vector<128x16x1xf32> to vector<128x16x64xf32>
    %broadcast_in_dim3A_534 = vector.broadcast %jit3A_531 : f32 to vector<128x16x64xf32>
    %select_n3A_535 = arith.select %eq3A_527, %broadcast_in_dim3A_533, %broadcast_in_dim3A_534 : vector<128x16x64xi1>, vector<128x16x64xf32>
    %add3A_536 = arith.constant 1 : i32
    %add3A_537 = vector.broadcast %add3A_536 : i32 to vector<128x16x1xi32>
    %add3A_538 = arith.addi %broadcast_in_dim3A_524, %add3A_537 : vector<128x16x1xi32>
    %eq3A_539 = vector.broadcast %add3A_538 : vector<128x16x1xi32> to vector<128x16x64xi32>
    %eq3A_540 = arith.cmpi eq, %select_n3A_476, %eq3A_539 : vector<128x16x64xi32>
    %jit3A_541 = arith.constant 0.000000e+00 : f32
    %broadcast_in_dim3A_542 = vector.shape_cast %broadcast_in_dim3A_525 : vector<128x16x1xf32> to vector<128x16x1xf32>
    %broadcast_in_dim3A_543 = vector.broadcast %broadcast_in_dim3A_542 : vector<128x16x1xf32> to vector<128x16x64xf32>
    %broadcast_in_dim3A_544 = vector.broadcast %jit3A_541 : f32 to vector<128x16x64xf32>
    %select_n3A_545 = arith.select %eq3A_540, %broadcast_in_dim3A_543, %broadcast_in_dim3A_544 : vector<128x16x64xi1>, vector<128x16x64xf32>
    %add3A_546 = arith.addf %select_n3A_535, %select_n3A_545 : vector<128x16x64xf32>
    %mul3A_547 = arith.mulf %mul3A_523, %add3A_546 : vector<128x16x64xf32>
    %broadcast_in_dim3A_548 = vector.shape_cast %convert_element_type3A_11 : vector<128x16xf32> to vector<128x16x1xf32>
    %mul3A_549 = vector.broadcast %broadcast_in_dim3A_548 : vector<128x16x1xf32> to vector<128x16x64xf32>
    %mul3A_550 = arith.mulf %mul3A_547, %mul3A_549 : vector<128x16x64xf32>
    %dot_general3A = arith.constant dense<0.000000e+00> : vector<128x64x64xf32>
    %dot_general3A_551 = tpu.matmul %mul3A_550, %slice3A, %dot_general3A {dimension_numbers = #tpu.dot_dimension_numbers<[1], [1], [2], [2], [0, 0, 0, 2, 1, 2], [0], [0]>, precision = #tpu.contract_precision<fp32>, transpose_lhs_hint = false} : vector<128x16x64xf32>, vector<128x16x64xf32>, vector<128x64x64xf32> -> vector<128x64x64xf32>
    %get3A_552 = arith.constant 0 : index
    %get3A_553 = arith.constant 0 : index
    %get3A_554 = arith.constant 0 : index
    %get3A_555 = vector.load %arg4[%get3A_552, %get3A_553, %get3A_554] : memref<64x64x64xf32, #tpu.memory_space<vmem>>, vector<64x64x64xf32>
    %dot_general3A_556 = arith.constant dense<0.000000e+00> : vector<64x128x64xf32>
    %dot_general3A_557 = tpu.matmul %dot_general3A_551, %get3A_555, %dot_general3A_556 {dimension_numbers = #tpu.dot_dimension_numbers<[2], [1], [0], [2], [0, 1, 0, 0, 1, 2], [1], [0]>, transpose_lhs_hint = false} : vector<128x64x64xf32>, vector<64x64x64xf32>, vector<64x128x64xf32> -> vector<64x128x64xf32>
    %reduce_sum3A_558 = arith.constant dense<0.000000e+00> : vector<128x64xf32>
    %reduce_sum3A_559 = vector.multi_reduction <add>, %dot_general3A_557, %reduce_sum3A_558 [0] : vector<64x128x64xf32> to vector<128x64xf32>
    %get3A_560 = arith.constant 0 : index
    %get3A_561 = arith.constant 0 : index
    %get3A_562 = vector.load %arg5[%get3A_560, %get3A_561] : memref<1x64xf32, #tpu.memory_space<vmem>>, vector<1x64xf32>
    %add3A_563 = vector.broadcast %get3A_562 : vector<1x64xf32> to vector<128x64xf32>
    %add3A_564 = arith.addf %reduce_sum3A_559, %add3A_563 : vector<128x64xf32>
    %swap3A = arith.constant 0 : index
    %swap3A_565 = arith.constant 0 : index
    %swap3A_566 = vector.load %arg8[%swap3A, %swap3A_565] : memref<128x64xf32, #tpu.memory_space<vmem>>, vector<128x64xf32>
    tpu.vector_store %arg8[%swap3A, %swap3A_565], %add3A_564 {strides = array<i32>} : memref<128x64xf32, #tpu.memory_space<vmem>>, vector<128x64xf32>,
    %get3A_567 = arith.constant 0 : index
    %get3A_568 = arith.constant 0 : index
    %get3A_569 = vector.load %arg3[%get3A_567, %get3A_568] : memref<128x64xf32, #tpu.memory_space<vmem>>, vector<128x64xf32>
    %get3A_570 = arith.constant 0 : index
    %get3A_571 = arith.constant 0 : index
    %get3A_572 = vector.load %arg6[%get3A_570, %get3A_571] : memref<64x64xf32, #tpu.memory_space<vmem>>, vector<64x64xf32>
    %dot_general3A_573 = arith.constant dense<0.000000e+00> : vector<128x64xf32>
    %dot_general3A_574 = tpu.matmul %get3A_569, %get3A_572, %dot_general3A_573 {dimension_numbers = #tpu.dot_dimension_numbers<[1], [0], [0], [1], [0, 0, 1, 1], [], []>, transpose_lhs_hint = false} : vector<128x64xf32>, vector<64x64xf32>, vector<128x64xf32> -> vector<128x64xf32>
    %get3A_575 = arith.constant 0 : index
    %get3A_576 = arith.constant 0 : index
    %get3A_577 = vector.load %arg7[%get3A_575, %get3A_576] : memref<1x64xf32, #tpu.memory_space<vmem>>, vector<1x64xf32>
    %add3A_578 = vector.broadcast %get3A_577 : vector<1x64xf32> to vector<128x64xf32>
    %add3A_579 = arith.addf %dot_general3A_574, %add3A_578 : vector<128x64xf32>
    %swap3A_580 = arith.constant 0 : index
    %swap3A_581 = arith.constant 0 : index
    %swap3A_582 = vector.load %arg9[%swap3A_580, %swap3A_581] : memref<128x64xf32, #tpu.memory_space<vmem>>, vector<128x64xf32>
    tpu.vector_store %arg9[%swap3A_580, %swap3A_581], %add3A_579 {strides = array<i32>} : memref<128x64xf32, #tpu.memory_space<vmem>>, vector<128x64xf32>,
    return
  }
  func.func @transform_0(%arg0: i32) -> (i32, i32, i32) {
    %c0_i32 = arith.constant 0 : i32
    %c0_i32_0 = arith.constant 0 : i32
    %c0_i32_1 = arith.constant 0 : i32
    return %arg0, %c0_i32, %c0_i32_0 : i32, i32, i32
  }
  func.func @transform_1(%arg0: i32) -> (i32, i32) {
    %c0_i32 = arith.constant 0 : i32
    %c0_i32_0 = arith.constant 0 : i32
    return %arg0, %c0_i32 : i32, i32
  }
  func.func @transform_2(%arg0: i32) -> (i32, i32) {
    %c0_i32 = arith.constant 0 : i32
    %c0_i32_0 = arith.constant 0 : i32
    return %arg0, %c0_i32 : i32, i32
  }
  func.func @transform_3(%arg0: i32) -> (i32, i32, i32) {
    %c0_i32 = arith.constant 0 : i32
    %c0_i32_0 = arith.constant 0 : i32
    %c0_i32_1 = arith.constant 0 : i32
    %c0_i32_2 = arith.constant 0 : i32
    return %c0_i32, %c0_i32_0, %c0_i32_1 : i32, i32, i32
  }
  func.func @transform_4(%arg0: i32) -> (i32, i32) {
    %c0_i32 = arith.constant 0 : i32
    %c0_i32_0 = arith.constant 0 : i32
    %c0_i32_1 = arith.constant 0 : i32
    return %c0_i32, %c0_i32_0 : i32, i32
  }
  func.func @transform_5(%arg0: i32) -> (i32, i32) {
    %c0_i32 = arith.constant 0 : i32
    %c0_i32_0 = arith.constant 0 : i32
    %c0_i32_1 = arith.constant 0 : i32
    return %c0_i32, %c0_i32_0 : i32, i32
  }
  func.func @transform_6(%arg0: i32) -> (i32, i32) {
    %c0_i32 = arith.constant 0 : i32
    %c0_i32_0 = arith.constant 0 : i32
    %c0_i32_1 = arith.constant 0 : i32
    return %c0_i32, %c0_i32_0 : i32, i32
  }
  func.func @transform_7(%arg0: i32) -> (i32, i32) {
    %c0_i32 = arith.constant 0 : i32
    %c0_i32_0 = arith.constant 0 : i32
    return %arg0, %c0_i32 : i32, i32
  }
  func.func @transform_8(%arg0: i32) -> (i32, i32) {
    %c0_i32 = arith.constant 0 : i32
    %c0_i32_0 = arith.constant 0 : i32
    return %arg0, %c0_i32 : i32, i32
  }
}

</mosaic_0001>

<sc_bundles>
// kernel: kernel.5.cloned.1.call-start
scs
__scs_entry_jumppad:
0x0: {  	(pc) =	sbr.rel $0x88, $3  }
0x1: {  	(tag) =	ssettag $0x0;
	lr =	simm.s32 $0x1  }
0x2: {  	[smem:$0x3F9B] =	sst lr;
	_ =	strace $0xD0000000  }
0x3: {  	_ = 	snop  }
0x4: {  	_ = 	snop  }
0x5: {  	_ = 	snop  }
0x6: {  	_ = 	snop  }
0x7: {  	_ = 	snop  }
__scs_overlays_trampoline_lowered:
0x8: {  	[smem:$0x3FAA] =	sst s0  }
0x9: {  	[smem:$0x3FAB] =	sst s1  }
0xa: {  	[smem:$0x3FAC] =	sst s2  }
0xb: {  	[smem:$0x3FAD] =	sst s3  }
0xc: {  	[smem:$0x3FAE] =	sst s4  }
0xd: {  	[smem:$0x3FAF] =	sst s5  }
0xe: {  	[smem:$0x3FB0] =	sst s6  }
0xf: {  	[smem:$0x3FB1] =	sst s7  }
0x10: {  	[smem:$0x3FB2] =	sst s8  }
0x11: {  	[smem:$0x3FB3] =	sst s9;
	s0 =	simm.s32 @!p0 $0x0  }
0x12: {  	s1 =	sld [smem:$0x3F99];
	s0 =	simm.s32 @p0 $0x1  }
0x13: {  	[smem:$0x3FB4] =	sst s0;
	s0 =	simm.s32 @!p1 $0x0  }
0x14: {  	s2 =	sld [smem:$0x3F98];
	s0 =	simm.s32 @p1 $0x1  }
0x15: {  	[smem:$0x3FB5] =	sst s0;
	s0 =	simm.s32 @!p2 $0x0  }
0x16: {  	s3 =	sld [smem:$0x3FDB];
	s0 =	simm.s32 @p2 $0x1  }
0x17: {  	s4 =	simm.s32 $0x1BF5;
	[smem:$0x3FB7] =	sst s0  }
0x18: {  	s0 =	sld [smem:$0x3F9A];
	_ =	swait.ge [sflag:s4], $0x0  }
0x19: {  	s7 =	sld [smem:$0x3F9B]  }
0x1a: {  	s8 =	sadd.s32 $0xFFFFE003, lr  }
0x1b: {  	s9 =	sadd.s32 $0xFFFFFEF7, lr;
	s5 =	simm.s32 $0xFFFFFFFF;
	p2 =	slt.u32 s8, $0xFFFFF086  }
0x1c: {  	p1 =	slt.u32 s9, $0xF7A;
	s5 =	simm.s32 @!p2 $0x0  }
0x1d: {  	s5 =	simm.s32 @p1 $0x1;
	p0 =	seq.s32 s7, s2  }
0x1e: {  	s7 =	smul.u32 @!p0 $0xF7A, s2;
	p2 =	seq.s32 @!p0 s5, $0x0  }
0x1f: {  	s9 =	smul.u32 $0xF7A, s1;
	s8 =	simm.s32 @!p0 $0x1BF5;
	p2 =	por !p2, p0  }
0x20: {  	[sflag:s8] =	ssyncset.s32 @!p0 $0xFFFFF086;
	s6 =	sadd.s32 @!p0 s3, s7;
	s7 =	simm.s32 @!p0 $0x108  }
0x21: {  	s3 =	sadd.s32 s3, s9;
	s6 =	sadd.s32 @!p0 $0x88, s6;
	s7 =	simm.s32 @p2 $0x1082  }
0x22: {  	[simem:s7], [sflag:s8] =	dma.local @!p0 [hbm:s6], $0xF7A  }
0x23: {  	s9 =	sor.u32 $0xD0000000, s2;
	s6 =	simm.s32 $0x108;
	_ =	swait.ge @!p0 [sflag:s8], $0x0  }
0x24: {  	s3 =	sadd.s32 $0x88, s3;
	s6 =	simm.s32 @!p1 $0x1082;
	[sflag:s4] =	ssyncset.s32 $0xFFFFF086  }
0x25: {  	[simem:s6], [sflag:s4] =	dma.local [hbm:s3], $0xF7A  }
0x26: {  	[smem:$0x3F9B] =	sst s1;
	(tag) =	ssettag s2;
	_ =	strace s9  }
0x27: {  	s1 =	sld [smem:$0x3FAB]  }
0x28: {  	s2 =	sld [smem:$0x3FAC]  }
0x29: {  	s4 =	sld [smem:$0x3FAE]  }
0x2a: {  	p0 =	seq.s32 s5, $0x0;
	s5 =	sld [smem:$0x3FAF]  }
0x2b: {  	s6 =	sld [smem:$0x3FB0]  }
0x2c: {  	s7 =	sld [smem:$0x3FB1]  }
0x2d: {  	s3 =	simm.s32 $0x108;
	s8 =	sld [smem:$0x3FB2]  }
0x2e: {  	s3 =	simm.s32 @!p0 $0x1082;
	s9 =	sld [smem:$0x3FB3]  }
0x2f: {  	lr =	sadd.s32 s0, s3;
	s0 =	sld [smem:$0x3FAA]  }
0x30: {  	s3 =	sld [smem:$0x3FAD]  }
0x31: {  	[smem:$0x3FB6] =	sst s10  }
0x32: {  	s10 =	sld [smem:$0x3FB4];
	_ =	sdelay $0x3  }
0x33: {  	p0 =	seq.s32 s10, $0x1;
	s10 =	sld [smem:$0x3FB6];
	_ =	sdelay $0x3  }
0x34: {  	[smem:$0x3FB6] =	sst s10  }
0x35: {  	s10 =	sld [smem:$0x3FB5];
	_ =	sdelay $0x3  }
0x36: {  	p1 =	seq.s32 s10, $0x1;
	s10 =	sld [smem:$0x3FB6];
	_ =	sdelay $0x3  }
0x37: {  	[smem:$0x3FB6] =	sst s10  }
0x38: {  	s10 =	sld [smem:$0x3FB7]  }
0x39: {  	_ = 	snop;
	(pc) =	sbr.ind lr, $3  }
0x3a: {  	_ = 	snop  }
0x3b: {  	_ = 	snop  }
0x3c: {  	p2 =	seq.s32 s10, $0x1;
	s10 =	sld [smem:$0x3FB6]  }
0x3d: {  	_ =	shalt  }
0x3e: {  	_ =	shalt  }
0x3f: {  	_ =	shalt  }
0x40: {  	_ =	shalt  }
0x41: {  	_ =	shalt  }
0x42: {  	_ =	shalt  }
0x43: {  	_ =	shalt  }
0x44: {  	_ =	shalt  }
0x45: {  	_ =	shalt  }
0x46: {  	_ =	shalt  }
0x47: {  	_ =	shalt  }
0x48: {  	_ =	shalt  }
0x49: {  	_ =	shalt  }
0x4a: {  	_ =	shalt  }
0x4b: {  	_ =	shalt  }
0x4c: {  	_ =	shalt  }
0x4d: {  	_ =	shalt  }
0x4e: {  	_ =	shalt  }
0x4f: {  	_ =	shalt  }
0x50: {  	_ =	shalt  }
0x51: {  	_ =	shalt  }
0x52: {  	_ =	shalt  }
0x53: {  	_ =	shalt  }
0x54: {  	_ =	shalt  }
0x55: {  	_ =	shalt  }
0x56: {  	_ =	shalt  }
0x57: {  	_ =	shalt  }
0x58: {  	_ =	shalt  }
0x59: {  	_ =	shalt  }
0x5a: {  	_ =	shalt  }
0x5b: {  	_ =	shalt  }
0x5c: {  	_ =	shalt  }
0x5d: {  	_ =	shalt  }
0x5e: {  	_ =	shalt  }
0x5f: {  	_ =	shalt  }
0x60: {  	_ =	shalt  }
0x61: {  	_ =	shalt  }
0x62: {  	_ =	shalt  }
0x63: {  	_ =	shalt  }
0x64: {  	_ =	shalt  }
0x65: {  	_ =	shalt  }
0x66: {  	_ =	shalt  }
0x67: {  	_ =	shalt  }
0x68: {  	_ =	shalt  }
0x69: {  	_ =	shalt  }
0x6a: {  	_ =	shalt  }
0x6b: {  	_ =	shalt  }
0x6c: {  	_ =	shalt  }
0x6d: {  	_ =	shalt  }
0x6e: {  	_ =	shalt  }
0x6f: {  	_ =	shalt  }
0x70: {  	_ =	shalt  }
0x71: {  	_ =	shalt  }
0x72: {  	_ =	shalt  }
0x73: {  	_ =	shalt  }
0x74: {  	_ =	shalt  }
0x75: {  	_ =	shalt  }
0x76: {  	_ =	shalt  }
0x77: {  	_ =	shalt  }
0x78: {  	_ =	shalt  }
0x79: {  	_ =	shalt  }
0x7a: {  	_ =	shalt  }
0x7b: {  	_ =	shalt  }
0x7c: {  	_ =	shalt  }
0x7d: {  	_ =	shalt  }
0x7e: {  	_ =	shalt  }
0x7f: {  	_ =	shalt  }
0x80: {  	_ =	shalt  }
0x81: {  	_ =	shalt  }
0x82: {  	_ =	shalt  }
0x83: {  	_ =	shalt  }
0x84: {  	_ =	shalt  }
0x85: {  	_ =	shalt  }
0x86: {  	_ =	shalt  }
0x87: {  	_ =	shalt  }
.Lfunc_end0:
.L_simem_size_0:
called_computation_lowered:
.L_overlay_start_0:
0x88: {  	s2 =	sld [smem:$0x3FD9]  }
0x89: {  	s3 =	sld [smem:$0x3FFE];
	_ =	sdelay $0x1  }
0x8a: {  	s1 =	srdreg.scid  }
0x8b: {  	s0 =	sand.u32 $0x1, s1  }
0x8c: {  	s14 =	sshll.u32 s0, $0xA;
	s2 =	sadd.s32 s3, s2  }
0x8d: {  	s2 =	sadd.s32 s2, s14  }
0x8e: {  	[smem:$0x3FC2] =	sst s2  }
0x8f: {  	_ = 	snop  }
0x90: {  	s2 =	sld [smem:$0x3FD0];
	_ =	sdelay $0x2  }
0x91: {  	s15 =	simm.s32 $0xA;
	s4 =	simm.s32 $0x10  }
0x92: {  	[smem:s4], [sflag:s15] =	dma.local [hbm:s2], $0x1  }
0x93: {  	_ =	swait.eq [sflag:s15], $0x1  }
0x94: {  	[sflag:s15] =	ssyncset.done $0x0  }
0x95: {  	[sflag:s15] =	ssyncadd.s32 $0xFFFFFFFF  }
0x96: {  	s16 =	sld [smem:$0x11];
	(tm) =	ssettm $0x1  }
0x97: {  	s17 =	sld [smem:$0x3FFB];
	_ =	sdelay $0x3  }
0x98: {  	_ =	strace s17  }
0x99: {  	s3 =	sld [smem:$0x3FFC];
	_ =	sdelay $0x3  }
0x9a: {  	_ =	strace s3  }
0x9b: {  	s3 =	sld [smem:$0x3FFD];
	_ =	sdelay $0x3  }
0x9c: {  	_ =	strace s3  }
0x9d: {  	_ =	strace $0x8FFFFFFF  }
0x9e: {  	s18 =	sld [smem:$0x3FDB];
	_ =	sdelay $0x1  }
0x9f: {  	s19 =	simm.s32 $_scs_section_size  }
0xa0: {  	s5 =	simm.s32 $_size__tile_overlayer_lowered;
	s6 =	simm.s32 $_tile_overlayer_lowered  }
0xa1: {  	s22 =	simm.s32 $0x1BFF;
	s21 =	sshll.u32 s6, $0x1;
	s3 =	sadd.s32 s19, s18  }
0xa2: {  	s7 =	simm.s32 $0x0;
	s20 =	sshll.u32 s5, $0x1;
	s5 =	sadd.s32 s21, s3  }
0xa3: {  	[timem:s7], [sflag:s22] =	dma.local [hbm:s5], s20  }
0xa4: {  	_ =	swait.ge [sflag:s22], s20  }
0xa5: {  	s4 =	ssub.s32 $0x0, s20;
	[sflag:s22] =	ssyncset.done $0x0  }
0xa6: {  	[sflag:s22] =	ssyncadd.s32 s4;
	_ =	sdelay $0x1  }
0xa7: {  	s23 =	simm.s32 $0x1B8B  }
0xa8: {  	_ =	swait.ge [sflag:s23], $0x1  }
0xa9: {  	[sflag:s23] =	ssyncset.done $0x0  }
0xaa: {  	s25 =	simm.s32 $0x1B8E;
	s24 =	sld [smem:$0x3FFE];
	[sflag:s23] =	ssyncadd.s32 $0xFFFFFFFF  }
0xab: {  	s26 =	simm.s32 $execute0_lowered;
	[smem:$0x3FD2] =	sst s25  }
0xac: {  	s5 =	sshll.u32 s26, $0x1;
	_ =	strace $0x80000046;
	[dreg:$0x1] =	wrdreg $0xFFFFFFFF  }
0xad: {  	s28 =	simm.s32 $_size_execute0_lowered;
	s3 =	sadd.s32 s3, s5;
	[dreg:$0x0] =	wrdreg $0x0  }
0xae: {  	s5 =	sshll.u32 s28, $0x1;
	[dreg:$0x2] =	wrdreg s3  }
0xaf: {  	[dreg:$0x3] =	wrdreg s5  }
0xb0: {  	[dreg:$0x4] =	wrdreg $0xC0  }
0xb1: {  	_ =	task [dreg:s7], $0x5FFFF  }
0xb2: {  	[dreg:$0x1] =	wrdreg $0xFFFFFFFF  }
0xb3: {  	[dreg:$0x0] =	wrdreg $0x60  }
0xb4: {  	[dreg:$0x2] =	wrdreg s24  }
0xb5: {  	[dreg:$0x3] =	wrdreg s16  }
0xb6: {  	[dreg:$0x4] =	wrdreg $0x9  }
0xb7: {  	_ =	task.clear_ibuf [dreg:s7], $0x5FFFF;
	_ =	strace $0x90000046  }
0xb8: {  	s29 =	simm.s32 $0x9;
	_ =	strace $0x80000048  }
0xb9: {  	_ =	swait.ge [sflag:s29], $0x1  }
0xba: {  	[sflag:s29] =	ssyncadd.s32 $0xFFFFFFFF  }
0xbb: {  	_ =	strace $0x90000048  }
0xbc: {  	_ =	sfence  }
0xbd: {  	s30 =	sld [smem:$0x0];
	_ =	sdelay $0x2  }
0xbe: {  	s31 =	sshll.u32 s1, $0xD;
	s1 =	sshrl.u32 s1, $0x2  }
0xbf: {  	s3 =	sand.u32 $0x4000, s31;
	s1 =	sadd.s32 s1, s30  }
0xc0: {  	s0 =	sor.u32 s3, s0;
	s1 =	sshll.u32 s1, $0x11  }
0xc1: {  	s0 =	sor.u32 s1, s0  }
0xc2: {  	s0 =	sadd.s32 $0x8F2B, s0  }
0xc3: {  	[sflag:s0] =	ssyncadd.remote.s32 $0x1  }
0xc4: {  	_ =	sfence.sel $0xFFFF  }
0xc5: {  	[dreg:$0x0] =	wrdreg $0xFFFFFFFF;
	(pc) =	sbr.abs _section_cstart, $3  }
0xc6: {  	[dreg:$0x1] =	wrdreg $0xFFFFFFFF  }
0xc7: {  	_ =	task.clear_ibuf [dreg:s7], $0x2FFFF;
	_ =	strace $0x9FFFFFFF  }
0xc8: {  	(tm) =	ssettm $0x7FFFFFFF  }
0xc9: {  	_ =	shalt  }
tec
execute0_lowered:
.L_overlay_start_1:
0x0: {  	(tag) =	ssettag $0x1  }
0x1: {  	s3 =	rddreg [dreg:$0x0]  }
0x2: {  	s5 =	rddreg [dreg:$0x1]  }
0x3: {  	s0 =	rddreg [dreg:$0x2];
	s1 =	stileid.u32  }
0x4: {  	s4 =	srdreg.scid;
	s2 =	simm.s32 $0x0;
	s6 =	smul.u32 $0x14000, s1  }
0x5: {  	s4 =	sand.u32 $0x1, s4;
	[smem:$0x7FF] =	sst s2;
	s9 =	sshll.u32 s1, $0xD  }
0x6: {  	s7 =	ssub.s32 $0x2, s4;
	_ =	strace $0x80000047;
	s10 =	sshll.u32 s4, $0xC  }
0x7: {  	s11 =	smul.u32 $0xA000, s4;
	s6 =	sadd.s32 s6, s3;
	s8 =	sshrl.u32 s7, $0x1  }
0x8: {  	s3 =	sadd.s32 $0xE00, s3;
	s31 =	sor.u32 s10, s9;
	s9 =	simm.s32 $0x1  }
0x9: {  	s10 =	simm.s32 $0x0;
	s30 =	ssub.s32 s7, s8;
	s7 =	sshrl.u32 s31, $0x3  }
0xa: {  	s6 =	sadd.s32 s11, s6;
	s8 =	simm.s32 $0x80;
	s4 =	smax.u32 s30, $0x1  }
0xb: {  	s5 =	sadd.s32 s7, s5;
	s6 =	sadd.s32 $0x14E00, s6;
	s7 =	simm.s32 $0x2  }
.LBB2_1:
0xc: {  	s11 =	sadd.s32 $0x0, s5  }
0xd: {  	[tilespmem:s2], [sflag:$0x2] =	stream.linear.gather [hbm4b:s11+s2], $0x80, $0x38;
	[tilespmem:$0x2880] =	vst v63  }
0xe: {  	_ =	swait.ge [sflag:s7], $0x80  }
0xf: {  	[sflag:s7] =	ssyncset.done $0x0  }
0x10: {  	[sflag:s7] =	ssyncadd.s32 $0xFFFFFF80  }
0x11: {  	[tilespmem:s8], [sflag:$0x1] =	stream.indirect.gather [hbm4b:s3+s8], $0x50, s2, s8, $0xb8;
	[tilespmem:$0x2880] =	vst v63  }
0x12: {  	_ =	swait.ge [sflag:s9], $0x2800  }
0x13: {  	[sflag:s9] =	ssyncset.done $0x0  }
0x14: {  	[sflag:s9] =	ssyncadd.s32 $0xFFFFD800  }
0x15: {  	[hbm4b:s6+s2] =	stream.linear.scatter [tilespmem:s8], [sflag:$0x2], $0x2800, $0x38;
	[tilespmem:$0x2880] =	vst v63  }
0x16: {  	s12 =	simm.s32 $0x10;
	_ =	swait.ge [sflag:s7], $0x2800  }
0x17: {  	s13 =	simm.s32 $0x20;
	s11 =	sadd.s32 $0x500, s6;
	[sflag:s7] =	ssyncset.done $0x0  }
.LBB2_2:
0x18: {  	s14 =	sadd.s32 s12, s5  }
0x19: {  	[sflag:s7] =	ssyncadd.s32 $0xFFFFD800;
	s12 =	smov.u32 s13;
	s15 =	sadd.s32 $0x10, s13  }
0x1a: {  	[tilespmem:s2], [sflag:$0x2] =	stream.linear.gather [hbm4b:s14+s2], $0x80, $0x38;
	[tilespmem:$0x2880] =	vst v63  }
0x1b: {  	p0 =	sne.s32 s13, $0x1F0;
	_ =	swait.ge [sflag:s7], $0x80  }
0x1c: {  	[sflag:s7] =	ssyncset.done $0x0  }
0x1d: {  	[sflag:s7] =	ssyncadd.s32 $0xFFFFFF80  }
0x1e: {  	[tilespmem:s8], [sflag:$0x1] =	stream.indirect.gather [hbm4b:s3+s8], $0x50, s2, s8, $0xb8;
	[tilespmem:$0x2880] =	vst v63  }
0x1f: {  	_ =	swait.ge [sflag:s9], $0x2800  }
.Ltmp0:
0x20: {  	[sflag:s9] =	ssyncset.done $0x0;
	(pc) =	sbr.rel @p0 .LBB2_2-.Ltmp0, $4  }
0x21: {  	[sflag:s9] =	ssyncadd.s32 $0xFFFFD800  }
0x22: {  	[hbm4b:s11+s2] =	stream.linear.scatter [tilespmem:s8], [sflag:$0x2], $0x2800, $0x38;
	[tilespmem:$0x2880] =	vst v63  }
0x23: {  	_ =	swait.ge [sflag:s7], $0x2800  }
0x24: {  	s13 =	smov.u32 s15;
	s11 =	sadd.s32 $0x500, s11;
	[sflag:s7] =	ssyncset.done $0x0  }
0x25: {  	s12 =	sadd.s32 s12, s5;
	[sflag:s7] =	ssyncadd.s32 $0xFFFFD800  }
0x26: {  	[tilespmem:s2], [sflag:$0x2] =	stream.linear.gather [hbm4b:s12+s2], $0x80, $0x38;
	[tilespmem:$0x2880] =	vst v63  }
0x27: {  	_ =	swait.ge [sflag:s7], $0x80  }
0x28: {  	[sflag:s7] =	ssyncset.done $0x0  }
0x29: {  	[sflag:s7] =	ssyncadd.s32 $0xFFFFFF80  }
0x2a: {  	[tilespmem:s8], [sflag:$0x1] =	stream.indirect.gather [hbm4b:s3+s8], $0x50, s2, s8, $0xb8;
	[tilespmem:$0x2880] =	vst v63  }
0x2b: {  	s10 =	sadd.s32 $0x1, s10;
	_ =	swait.ge [sflag:s9], $0x2800  }
0x2c: {  	p0 =	sne.s32 s10, s4;
	[sflag:s9] =	ssyncset.done $0x0  }
.Ltmp1:
0x2d: {  	[sflag:s9] =	ssyncadd.s32 $0xFFFFD800;
	(pc) =	sbr.rel @p0 .LBB2_1-.Ltmp1, $4  }
0x2e: {  	[hbm4b:s11+s2] =	stream.linear.scatter [tilespmem:s8], [sflag:$0x2], $0x2800, $0x38;
	[tilespmem:$0x2880] =	vst v63  }
0x2f: {  	_ =	swait.ge [sflag:s7], $0x2800  }
0x30: {  	[sflag:s7] =	ssyncset.done $0x0  }
0x31: {  	[sflag:s7] =	ssyncadd.s32 $0xFFFFD800  }
0x32: {  	_ =	sfence.sel $0x180000  }
0x33: {  	[bflag:$0x0] =	sbarrier.arrive $0xFFFF  }
0x34: {  	p0 =	sne.s32 s1, $0x0;
	_ =	strace $0x90000047  }
0x35: {  	s0 =	sadd.s32 @!p0 $0x100000, s0;
	[bflag:$0x2] =	sbarrier.arrive $0xFFFF  }
0x36: {  	[sflag:s0] =	ssyncadd.tile.s32 @!p0 $0x1;
	_ =	shalt  }
.Lfunc_end2:
_tile_overlayer_lowered:
.L_overlay_start_2:
0x37: {  	(tag) =	ssettag $0x2  }
0x38: {  	s0 =	rddreg [dreg:$0x0];
	s2 =	stileid.u32  }
0x39: {  	s1 =	rddreg [dreg:$0x1];
	p0 =	sne.s32 s2, $0x0  }
0x3a: {  	s3 =	rddreg [dreg:$0x2];
	[bflag:$0x3] =	sbarrier.arrive $0xFFFF;
	s2 =	simm.s32 @!p0 $0x1C02  }
0x3b: {  	[timem:s3], [sflag:s2] =	dma.local @!p0 [hbm:s0], s1  }
0x3c: {  	s0 =	simm.s32 @!p0 $0x2  }
0x3d: {  	_ =	swait.ge @!p0 [sflag:s0], s1  }
0x3e: {  	s1 =	ssub.s32 @!p0 $0x0, s1;
	[sflag:s0] =	ssyncset.done @!p0 $0x0  }
0x3f: {  	[sflag:s0] =	ssyncadd.s32 @!p0 s1  }
0x40: {  	[bflag:$0x3] =	sbarrier.arrive $0xFFFF  }
0x41: {  	_ =	shalt  }

</sc_bundles>
